<compile_context>
chip_gen: v7x
topology: tpu7x:2x2x1
jax: 0.10.2.dev20260603
libtpu: 0.0.44.dev20260713+nightly
codegen_flags: <defaults>
</compile_context>

<pallas_src>
import functools

import jax
import jax.numpy as jnp
from jax import lax
from jax.experimental import pallas as pl
from jax.experimental.pallas import tpu as pltpu
from jax.experimental.pallas import tpu_sc as plsc

N = 10000
E = 320000
G = 64
D_IN = 128
D_H = 256
HALF = 128

NC = 2
NS = 16
LANES = 16

CHUNK = 128
IDX_STAGE = 40
E_PAD = 327680
NCHUNK = E_PAD // CHUNK
ROWS_PER_TILE = 624
TAIL_ROWS = N - NS * ROWS_PER_TILE
ACC_ROWS = N + LANES

RB = 2000
NB = N // RB



def _sc_degree_body(edst_hbm, ones_hbm, init_hbm, out_hbm, dst_v, ones_v,
                    deg_sh, sem):
    c = lax.axis_index("c")
    s = lax.axis_index("s")
    rbase = s * ROWS_PER_TILE
    pltpu.sync_copy(init_hbm.at[pl.ds(c * ACC_ROWS + rbase, ROWS_PER_TILE)],
                    deg_sh.at[pl.ds(rbase, ROWS_PER_TILE)])
    @pl.when(s == NS - 1)
    def _():
        pltpu.sync_copy(
            init_hbm.at[pl.ds(c * ACC_ROWS + NS * ROWS_PER_TILE,
                              TAIL_ROWS + LANES)],
            deg_sh.at[pl.ds(NS * ROWS_PER_TILE, TAIL_ROWS + LANES)])
    pltpu.sync_copy(ones_hbm, ones_v)

    per_tile = NCHUNK // (NC * NS)
    cbase = (c * NS + s) * per_tile
    pltpu.sync_copy(edst_hbm.at[pl.ds(cbase, per_tile)], dst_v)
    plsc.subcore_barrier()

    def chunk(k, carry):
        pltpu.async_copy(ones_v, deg_sh.at[dst_v.at[k]], sem, add=True)
        return carry
    lax.fori_loop(0, per_tile, chunk, 0)

    def drain(k, carry):
        pltpu.make_async_copy(ones_v, deg_sh.at[dst_v.at[k]], sem).wait()
        return carry
    lax.fori_loop(0, per_tile, drain, 0)

    plsc.subcore_barrier()
    pltpu.sync_copy(deg_sh.at[pl.ds(rbase, ROWS_PER_TILE)],
                    out_hbm.at[pl.ds(c * N + rbase, ROWS_PER_TILE)])
    @pl.when(s == NS - 1)
    def _():
        pltpu.sync_copy(
            deg_sh.at[pl.ds(NS * ROWS_PER_TILE, TAIL_ROWS)],
            out_hbm.at[pl.ds(c * N + NS * ROWS_PER_TILE, TAIL_ROWS)])


def _sc_degree(edst_p, ones8, deg_init):
    mesh = plsc.VectorSubcoreMesh(core_axis_name="c", subcore_axis_name="s")
    per_tile = NCHUNK // (NC * NS)
    run = pl.kernel(
        _sc_degree_body,
        out_type=jax.ShapeDtypeStruct((2 * N, 8), jnp.float32),
        mesh=mesh,
        scratch_types=[
            pltpu.VMEM((per_tile, CHUNK), jnp.int32),
            pltpu.VMEM((CHUNK, 8), jnp.float32),
            pltpu.VMEM_SHARED((ACC_ROWS, 8), jnp.float32),
            pltpu.SemaphoreType.DMA,
        ],
    )
    return run(edst_p, ones8, deg_init)


def _sc_scatter_body(g_hbm, esrc_hbm, edst_hbm, out_hbm, src_v, dst_v, rows_v,
                     acc_sh, sem, *, edge_split):
    c = lax.axis_index("c")
    s = lax.axis_index("s")
    rbase = s * ROWS_PER_TILE
    pltpu.sync_copy(g_hbm.at[pl.ds(c * N + rbase, ROWS_PER_TILE)],
                    acc_sh.at[pl.ds(rbase, ROWS_PER_TILE)])
    @pl.when(s == NS - 1)
    def _():
        pltpu.sync_copy(
            g_hbm.at[pl.ds(c * N + NS * ROWS_PER_TILE, TAIL_ROWS)],
            acc_sh.at[pl.ds(NS * ROWS_PER_TILE, TAIL_ROWS)])

    rows0, rows1 = rows_v
    gsem0, gsem1 = sem
    if edge_split:
        per_tile = NCHUNK // (NC * NS)
        cbase = (c * NS + s) * per_tile
    else:
        per_tile = NCHUNK // NS
        cbase = s * per_tile
    plsc.subcore_barrier()

    def run_stage(st, carry):
        sbase = cbase + st * IDX_STAGE
        pltpu.sync_copy(esrc_hbm.at[pl.ds(c * NCHUNK + sbase, IDX_STAGE)],
                        src_v)
        pltpu.sync_copy(edst_hbm.at[pl.ds(sbase, IDX_STAGE)], dst_v)

        pltpu.async_copy(g_hbm.at[src_v.at[0]], rows0, gsem0)
        pltpu.async_copy(g_hbm.at[src_v.at[1]], rows1, gsem1)

        def do_chunk(k, rows, gsem, nxt):
            pltpu.make_async_copy(g_hbm.at[src_v.at[k]], rows, gsem).wait()
            pltpu.sync_copy(rows, acc_sh.at[dst_v.at[k]], add=True)
            if nxt:
                pltpu.async_copy(g_hbm.at[src_v.at[k + 2]], rows, gsem)

        def quad(qq, carry2):
            k0 = 4 * qq
            do_chunk(k0, rows0, gsem0, True)
            do_chunk(k0 + 1, rows1, gsem1, True)
            do_chunk(k0 + 2, rows0, gsem0, True)
            do_chunk(k0 + 3, rows1, gsem1, True)
            return carry2
        lax.fori_loop(0, IDX_STAGE // 4 - 1, quad, 0)
        k0 = IDX_STAGE - 4
        do_chunk(k0, rows0, gsem0, True)
        do_chunk(k0 + 1, rows1, gsem1, True)
        do_chunk(k0 + 2, rows0, gsem0, False)
        do_chunk(k0 + 3, rows1, gsem1, False)
        return carry
    lax.fori_loop(0, per_tile // IDX_STAGE, run_stage, 0)

    plsc.subcore_barrier()
    pltpu.sync_copy(acc_sh.at[pl.ds(rbase, ROWS_PER_TILE)],
                    out_hbm.at[pl.ds(c * N + rbase, ROWS_PER_TILE)])
    @pl.when(s == NS - 1)
    def _():
        pltpu.sync_copy(
            acc_sh.at[pl.ds(NS * ROWS_PER_TILE, TAIL_ROWS)],
            out_hbm.at[pl.ds(c * N + NS * ROWS_PER_TILE, TAIL_ROWS)])


def _sc_scatter(g_stack, esrc2, edst_p, width, edge_split=False):
    mesh = plsc.VectorSubcoreMesh(core_axis_name="c", subcore_axis_name="s")
    run = pl.kernel(
        functools.partial(_sc_scatter_body, edge_split=edge_split),
        out_type=jax.ShapeDtypeStruct((2 * N, width), jnp.float32),
        mesh=mesh,
        scratch_types=[
            pltpu.VMEM((IDX_STAGE, CHUNK), jnp.int32),
            pltpu.VMEM((IDX_STAGE, CHUNK), jnp.int32),
            (pltpu.VMEM((CHUNK, width), jnp.float32),
             pltpu.VMEM((CHUNK, width), jnp.float32)),
            pltpu.VMEM_SHARED((ACC_ROWS, width), jnp.float32),
            (pltpu.SemaphoreType.DMA, pltpu.SemaphoreType.DMA),
        ],
    )
    return run(g_stack, esrc2, edst_p)



def _scale1_body(x_ref, dga_ref, dgb_ref, t_ref, dinv_ref):
    deg = dga_ref[:, 0:1] + dgb_ref[:, 0:1]
    dinv = lax.rsqrt(deg)
    t_ref[...] = x_ref[...] * dinv
    dinv_ref[...] = dinv


def _scale1(x, deg_parts):
    return pl.pallas_call(
        _scale1_body,
        grid=(NB, 2),
        in_specs=[
            pl.BlockSpec((RB, D_IN), lambda i, j: (i, 0)),
            pl.BlockSpec((RB, 8), lambda i, j: (i, 0)),
            pl.BlockSpec((RB, 8), lambda i, j: (NB + i, 0)),
        ],
        out_specs=[
            pl.BlockSpec((RB, D_IN), lambda i, j: (j * NB + i, 0)),
            pl.BlockSpec((RB, 1), lambda i, j: (i, 0)),
        ],
        out_shape=[
            jax.ShapeDtypeStruct((2 * N, D_IN), jnp.float32),
            jax.ShapeDtypeStruct((N, 1), jnp.float32),
        ],
        compiler_params=pltpu.CompilerParams(
            dimension_semantics=("arbitrary", "arbitrary")),
    )(x, deg_parts, deg_parts)


def _tca_body(apa_ref, apb_ref, x_ref, dinv_ref, w1_ref, b1_ref, t2_ref):
    dinv = dinv_ref[...]
    acc = apa_ref[...] + apb_ref[...] - x_ref[...] * dinv
    h = jnp.dot(acc, w1_ref[...], preferred_element_type=jnp.float32)
    h = jnp.maximum(h * dinv + b1_ref[...], 0.0)
    t2_ref[...] = h * dinv


def _tca(acc1, x, dinv, W1, b1r):
    return pl.pallas_call(
        _tca_body,
        grid=(NB, 2),
        in_specs=[
            pl.BlockSpec((RB, D_IN), lambda i, j: (i, 0)),
            pl.BlockSpec((RB, D_IN), lambda i, j: (NB + i, 0)),
            pl.BlockSpec((RB, D_IN), lambda i, j: (i, 0)),
            pl.BlockSpec((RB, 1), lambda i, j: (i, 0)),
            pl.BlockSpec((D_IN, HALF), lambda i, j: (0, j)),
            pl.BlockSpec((1, HALF), lambda i, j: (0, j)),
        ],
        out_specs=pl.BlockSpec((RB, HALF), lambda i, j: (j * NB + i, 0)),
        out_shape=jax.ShapeDtypeStruct((2 * N, HALF), jnp.float32),
        compiler_params=pltpu.CompilerParams(
            dimension_semantics=("arbitrary", "arbitrary")),
    )(acc1, acc1, x, dinv, W1, b1r)


def _tcb_body(alo_ref, ahi_ref, dinv_ref, w2_ref, b2_ref, wfc_ref, bfc_ref,
              batch_ref, out_ref, sacc, cacc):
    i = pl.program_id(0)
    acc = jnp.concatenate([alo_ref[...], ahi_ref[...]], axis=1)
    h = jnp.dot(acc, w2_ref[...], preferred_element_type=jnp.float32)
    h = jnp.maximum(h * dinv_ref[...] + b2_ref[...], 0.0)
    y = jnp.dot(h, wfc_ref[...], preferred_element_type=jnp.float32)
    y = y + bfc_ref[0, 0]
    bb = batch_ref[0, 0, :]
    onehot = (bb[:, None] == lax.broadcasted_iota(jnp.int32, (1, G), 1)
              ).astype(jnp.float32)
    ps = jnp.sum(onehot * y, axis=0)[:, None]
    cs = jnp.sum(onehot, axis=0)[:, None]

    @pl.when(i == 0)
    def _():
        sacc[...] = jnp.zeros_like(sacc)
        cacc[...] = jnp.zeros_like(cacc)

    sacc[...] += ps
    cacc[...] += cs

    @pl.when(i == NB - 1)
    def _():
        out_ref[...] = sacc[...] / jnp.maximum(cacc[...], 1.0)


def _tcb(acc2, dinv, W2, b2r, Wfc, bfcr, batch3):
    return pl.pallas_call(
        _tcb_body,
        grid=(NB,),
        in_specs=[
            pl.BlockSpec((RB, HALF), lambda i: (i, 0)),
            pl.BlockSpec((RB, HALF), lambda i: (NB + i, 0)),
            pl.BlockSpec((RB, 1), lambda i: (i, 0)),
            pl.BlockSpec((D_H, D_H), lambda i: (0, 0)),
            pl.BlockSpec((1, D_H), lambda i: (0, 0)),
            pl.BlockSpec((D_H, 1), lambda i: (0, 0)),
            pl.BlockSpec((1, 1), lambda i: (0, 0)),
            pl.BlockSpec((1, 1, RB), lambda i: (i, 0, 0)),
        ],
        out_specs=pl.BlockSpec((G, 1), lambda i: (0, 0)),
        out_shape=jax.ShapeDtypeStruct((G, 1), jnp.float32),
        scratch_shapes=[
            pltpu.VMEM((G, 1), jnp.float32),
            pltpu.VMEM((G, 1), jnp.float32),
        ],
        compiler_params=pltpu.CompilerParams(
            dimension_semantics=("arbitrary",)),
    )(acc2, acc2, dinv, W2, b2r, Wfc, bfcr, batch3)



def kernel(x, edge_index, batch, W1, b1, W2, b2, Wfc, bfc):
    esrc = edge_index[0]
    edst = edge_index[1]
    pad = E_PAD - E
    pad_src = (jnp.arange(pad, dtype=jnp.int32) * 131) % N
    pad_dst = N + (jnp.arange(pad, dtype=jnp.int32) % LANES)
    esrc_p = jnp.concatenate([esrc, pad_src]).reshape(NCHUNK, CHUNK)
    edst_p = jnp.concatenate([edst, pad_dst]).reshape(NCHUNK, CHUNK)
    esrc2 = jnp.concatenate([esrc_p, esrc_p + N])

    ones8 = jnp.ones((CHUNK, 8), jnp.float32)
    deg_init = jnp.concatenate([
        jnp.ones((ACC_ROWS, 8), jnp.float32),
        jnp.zeros((ACC_ROWS, 8), jnp.float32)])

    b1r = b1.reshape(1, D_H)
    b2r = b2.reshape(1, D_H)
    bfcr = bfc.reshape(1, 1)
    batch3 = batch.reshape(NB, 1, RB)

    deg_parts = _sc_degree(edst_p, ones8, deg_init)
    t1d, dinv = _scale1(x, deg_parts)
    acc1 = _sc_scatter(t1d, esrc2, edst_p, D_IN, edge_split=True)
    t2 = _tca(acc1, x, dinv, W1, b1r)
    acc2 = _sc_scatter(t2, esrc2, edst_p, HALF)
    return _tcb(acc2, dinv, W2, b2r, Wfc, bfcr, batch3)

# --- scband reference (transcript-rebuilt; emitter-appended) ---
"""Pipeline reference for scband-pair-rank-gnn-8821862826085 (READ-ONLY COPY).

The authoritative reference and input builder live on the scoring server;
editing this copy changes nothing except your own understanding.
"""

import jax, jax.numpy as jnp
import numpy as np

N = 10000
E = 320000
G = 64
D_IN = 128
D_H = 256


def setup_inputs(seed: int = 0) -> dict:
    key = jax.random.key(seed)
    ks = jax.random.split(key, 8)
    x = jax.random.normal(ks[0], (N, D_IN), dtype=jnp.float32)
    edge_index = jax.random.randint(ks[1], (2, E), 0, N, dtype=jnp.int32)
    batch = jnp.sort(jax.random.randint(ks[2], (N,), 0, G, dtype=jnp.int32))
    W1 = jax.random.normal(ks[3], (D_IN, D_H), dtype=jnp.float32) * (1.0 / np.sqrt(D_IN))
    b1 = jnp.zeros((D_H,), dtype=jnp.float32)
    W2 = jax.random.normal(ks[4], (D_H, D_H), dtype=jnp.float32) * (1.0 / np.sqrt(D_H))
    b2 = jnp.zeros((D_H,), dtype=jnp.float32)
    Wfc = jax.random.normal(ks[5], (D_H, 1), dtype=jnp.float32) * (1.0 / np.sqrt(D_H))
    bfc = jnp.zeros((1,), dtype=jnp.float32)
    return {"x": x, "edge_index": edge_index, "batch": batch,
            "W1": W1, "b1": b1, "W2": W2, "b2": b2, "Wfc": Wfc, "bfc": bfc}


def _gcn_conv(x, edge_index, W, b):
    # PyG GCNConv: h = x @ W; symmetric normalization with self-loops; out = scatter_add(norm * h[src] -> dst) + b
    h = x @ W
    src = edge_index[0]
    dst = edge_index[1]
    loop = jnp.arange(N, dtype=src.dtype)
    src = jnp.concatenate([src, loop])
    dst = jnp.concatenate([dst, loop])
    ones = jnp.ones(src.shape[0], dtype=h.dtype)
    deg = jax.ops.segment_sum(ones, dst, num_segments=N)
    dinv = jnp.where(deg > 0, 1.0 / jnp.sqrt(deg), 0.0)
    norm = dinv[src] * dinv[dst]
    msg = h[src] * norm[:, None]
    out = jax.ops.segment_sum(msg, dst, num_segments=N)
    return out + b


def reference(x, edge_index, batch, W1, b1, W2, b2, Wfc, bfc):
    h = jax.nn.relu(_gcn_conv(x, edge_index, W1, b1))
    h = jax.nn.relu(_gcn_conv(h, edge_index, W2, b2))
    h = h @ Wfc + bfc
    # global_mean_pool over batch assignment
    sums = jax.ops.segment_sum(h, batch, num_segments=G)
    counts = jax.ops.segment_sum(jnp.ones((N, 1), dtype=h.dtype), batch, num_segments=G)
    return sums / jnp.maximum(counts, 1.0)

if __name__ == "__main__":
    import jax
    _d = setup_inputs()
    print(jax.jit(kernel)(*tuple(_d.values())))

</pallas_src>

<mosaic_0001>
#map = affine_map<(d0, d1) -> (0, 0)>
module attributes {stable_mosaic.version = 14 : i64} {
  func.func @_sc_scatter_body(%arg0: i32, %arg1: i32, %arg2: memref<20000x128xf32, #tpu.memory_space<hbm>>, %arg3: memref<5120x128xi32, #tpu.memory_space<hbm>>, %arg4: memref<2560x128xi32, #tpu.memory_space<hbm>>, %arg5: memref<20000x128xf32, #tpu.memory_space<hbm>>, %arg6: memref<40x128xi32, #tpu.memory_space<vmem>>, %arg7: memref<40x128xi32, #tpu.memory_space<vmem>>, %arg8: memref<128x128xf32, #tpu.memory_space<vmem>>, %arg9: memref<128x128xf32, #tpu.memory_space<vmem>>, %arg10: memref<10016x128xf32, #tpu.memory_space<vmem_shared>>, %arg11: memref<!tpu.dma_semaphore, #tpu.memory_space<semaphore_mem>>, %arg12: memref<!tpu.dma_semaphore, #tpu.memory_space<semaphore_mem>>) attributes {dimension_semantics = [#tpu.dimension_semantics<core_parallel>, #tpu.dimension_semantics<subcore_parallel>], iteration_bounds = array<i64: 2, 16>, scalar_prefetch = 0 : i64, scratch_operands = 7 : i64, tpu.core_type = #tpu.core_type<sc_vector_subcore>, window_params = [{transform_indices = #map}, {transform_indices = #map}, {transform_indices = #map}, {transform_indices = #map}]} {
    %mul3A = arith.constant 624 : i32
    %mul3A_0 = arith.muli %arg1, %mul3A : i32
    %mul3A_1 = arith.constant 10000 : i32
    %mul3A_2 = arith.muli %arg0, %mul3A_1 : i32
    %add3A = arith.addi %mul3A_2, %mul3A_0 : i32
    "tpu.region"() ({
      %run_scoped3A = tpu.sem_alloc : memref<!tpu.dma_semaphore, #tpu.memory_space<semaphore_mem>>
      %dma_start3A = arith.constant 0 : i32
      %dma_start3A_24 = tpu.memref_slice %arg10[%mul3A_0, %dma_start3A] : memref<10016x128xf32, #tpu.memory_space<vmem_shared>> -> memref<624x128xf32, #tpu.memory_space<vmem_shared>>
      %dma_start3A_25 = arith.constant 0 : i32
      %dma_start3A_26 = tpu.memref_slice %arg2[%add3A, %dma_start3A_25] : memref<20000x128xf32, #tpu.memory_space<hbm>> -> memref<624x128xf32, #tpu.memory_space<hbm>>
      tpu.enqueue_dma source(%dma_start3A_26 : memref<624x128xf32, #tpu.memory_space<hbm>>) target(%dma_start3A_24 : memref<624x128xf32, #tpu.memory_space<vmem_shared>>) target_semaphore(%run_scoped3A : memref<!tpu.dma_semaphore, #tpu.memory_space<semaphore_mem>>)
      %dma_wait3A = arith.constant 0 : i32
      %dma_wait3A_27 = tpu.memref_slice %arg10[%mul3A_0, %dma_wait3A] : memref<10016x128xf32, #tpu.memory_space<vmem_shared>> -> memref<624x128xf32, #tpu.memory_space<vmem_shared>>
      %dma_wait3A_28 = arith.constant 0 : i32
      %dma_wait3A_29 = tpu.memref_slice %arg2[%add3A, %dma_wait3A_28] : memref<20000x128xf32, #tpu.memory_space<hbm>> -> memref<624x128xf32, #tpu.memory_space<hbm>>
      tpu.wait_dma2 semaphore(%run_scoped3A : memref<!tpu.dma_semaphore, #tpu.memory_space<semaphore_mem>>) src(%dma_wait3A_29 : memref<624x128xf32, #tpu.memory_space<hbm>>) dst(%dma_wait3A_27 : memref<624x128xf32, #tpu.memory_space<vmem_shared>>)
      tpu.yield
    }) : () -> ()
    %eq3A = arith.constant 15 : i32
    %eq3A_3 = arith.cmpi eq, %arg1, %eq3A : i32
    %convert_element_type3A = arith.extui %eq3A_3 : i1 to i32
    %cond3A = arith.constant 0 : i32
    %cond3A_4 = arith.cmpi ne, %convert_element_type3A, %cond3A : i32
    scf.if %cond3A_4 {
      %mul3A_24 = arith.constant 10000 : i32
      %mul3A_25 = arith.muli %arg0, %mul3A_24 : i32
      %add3A_26 = arith.constant 9984 : i32
      %add3A_27 = arith.addi %mul3A_25, %add3A_26 : i32
      "tpu.region"() ({
        %run_scoped3A = tpu.sem_alloc : memref<!tpu.dma_semaphore, #tpu.memory_space<semaphore_mem>>
        %dma_start3A = arith.constant 9984 : i32
        %dma_start3A_28 = arith.constant 0 : i32
        %dma_start3A_29 = tpu.memref_slice %arg10[%dma_start3A, %dma_start3A_28] : memref<10016x128xf32, #tpu.memory_space<vmem_shared>> -> memref<16x128xf32, #tpu.memory_space<vmem_shared>>
        %dma_start3A_30 = arith.constant 0 : i32
        %dma_start3A_31 = tpu.memref_slice %arg2[%add3A_27, %dma_start3A_30] : memref<20000x128xf32, #tpu.memory_space<hbm>> -> memref<16x128xf32, #tpu.memory_space<hbm>>
        tpu.enqueue_dma source(%dma_start3A_31 : memref<16x128xf32, #tpu.memory_space<hbm>>) target(%dma_start3A_29 : memref<16x128xf32, #tpu.memory_space<vmem_shared>>) target_semaphore(%run_scoped3A : memref<!tpu.dma_semaphore, #tpu.memory_space<semaphore_mem>>)
        %dma_wait3A = arith.constant 9984 : i32
        %dma_wait3A_32 = arith.constant 0 : i32
        %dma_wait3A_33 = tpu.memref_slice %arg10[%dma_wait3A, %dma_wait3A_32] : memref<10016x128xf32, #tpu.memory_space<vmem_shared>> -> memref<16x128xf32, #tpu.memory_space<vmem_shared>>
        %dma_wait3A_34 = arith.constant 0 : i32
        %dma_wait3A_35 = tpu.memref_slice %arg2[%add3A_27, %dma_wait3A_34] : memref<20000x128xf32, #tpu.memory_space<hbm>> -> memref<16x128xf32, #tpu.memory_space<hbm>>
        tpu.wait_dma2 semaphore(%run_scoped3A : memref<!tpu.dma_semaphore, #tpu.memory_space<semaphore_mem>>) src(%dma_wait3A_35 : memref<16x128xf32, #tpu.memory_space<hbm>>) dst(%dma_wait3A_33 : memref<16x128xf32, #tpu.memory_space<vmem_shared>>)
        tpu.yield
      }) : () -> ()
    } else {
    }
    %mul3A_5 = arith.constant 16 : i32
    %mul3A_6 = arith.muli %arg0, %mul3A_5 : i32
    %add3A_7 = arith.addi %mul3A_6, %arg1 : i32
    %mul3A_8 = arith.constant 80 : i32
    %mul3A_9 = arith.muli %add3A_7, %mul3A_8 : i32
    %barrier3A = arith.constant 0 : index
    tpu.barrier barrier_id(%barrier3A)
    %scan3A = arith.constant 0 : i32
    %scan3A_10 = arith.constant 0 : i32
    %scan3A_11 = arith.constant 2 : i32
    %scan3A_12 = arith.addi %scan3A_10, %scan3A_11 : i32
    %scan3A_13 = arith.constant 1 : i32
    scf.for %scan3A_24 = %scan3A_10 to %scan3A_12 step %scan3A_13  : i32 {
      %mul3A_25 = arith.constant 40 : i32
      %mul3A_26 = arith.muli %scan3A_24, %mul3A_25 : i32
      %add3A_27 = arith.addi %mul3A_9, %mul3A_26 : i32
      %mul3A_28 = arith.constant 2560 : i32
      %mul3A_29 = arith.muli %arg0, %mul3A_28 : i32
      %add3A_30 = arith.addi %mul3A_29, %add3A_27 : i32
      "tpu.region"() ({
        %run_scoped3A_94 = tpu.sem_alloc : memref<!tpu.dma_semaphore, #tpu.memory_space<semaphore_mem>>
        %dma_start3A_95 = arith.constant 0 : i32
        %dma_start3A_96 = tpu.memref_slice %arg3[%add3A_30, %dma_start3A_95] : memref<5120x128xi32, #tpu.memory_space<hbm>> -> memref<40x128xi32, #tpu.memory_space<hbm>>
        %dma_start3A_97 = arith.constant 0 : i32
        %dma_start3A_98 = tpu.memref_slice %arg3[%add3A_30, %dma_start3A_97] : memref<5120x128xi32, #tpu.memory_space<hbm>> -> memref<40x128xi32, #tpu.memory_space<hbm>>
        tpu.enqueue_dma source(%dma_start3A_98 : memref<40x128xi32, #tpu.memory_space<hbm>>) target(%arg6 : memref<40x128xi32, #tpu.memory_space<vmem>>) target_semaphore(%run_scoped3A_94 : memref<!tpu.dma_semaphore, #tpu.memory_space<semaphore_mem>>)
        %dma_wait3A_99 = arith.constant 0 : i32
        %dma_wait3A_100 = tpu.memref_slice %arg3[%add3A_30, %dma_wait3A_99] : memref<5120x128xi32, #tpu.memory_space<hbm>> -> memref<40x128xi32, #tpu.memory_space<hbm>>
        %dma_wait3A_101 = arith.constant 0 : i32
        %dma_wait3A_102 = tpu.memref_slice %arg3[%add3A_30, %dma_wait3A_101] : memref<5120x128xi32, #tpu.memory_space<hbm>> -> memref<40x128xi32, #tpu.memory_space<hbm>>
        tpu.wait_dma2 semaphore(%run_scoped3A_94 : memref<!tpu.dma_semaphore, #tpu.memory_space<semaphore_mem>>) src(%dma_wait3A_102 : memref<40x128xi32, #tpu.memory_space<hbm>>) dst(%arg6 : memref<40x128xi32, #tpu.memory_space<vmem>>)
        tpu.yield
      }) : () -> ()
      "tpu.region"() ({
        %run_scoped3A_94 = tpu.sem_alloc : memref<!tpu.dma_semaphore, #tpu.memory_space<semaphore_mem>>
        %dma_start3A_95 = arith.constant 0 : i32
        %dma_start3A_96 = tpu.memref_slice %arg4[%add3A_27, %dma_start3A_95] : memref<2560x128xi32, #tpu.memory_space<hbm>> -> memref<40x128xi32, #tpu.memory_space<hbm>>
        %dma_start3A_97 = arith.constant 0 : i32
        %dma_start3A_98 = tpu.memref_slice %arg4[%add3A_27, %dma_start3A_97] : memref<2560x128xi32, #tpu.memory_space<hbm>> -> memref<40x128xi32, #tpu.memory_space<hbm>>
        tpu.enqueue_dma source(%dma_start3A_98 : memref<40x128xi32, #tpu.memory_space<hbm>>) target(%arg7 : memref<40x128xi32, #tpu.memory_space<vmem>>) target_semaphore(%run_scoped3A_94 : memref<!tpu.dma_semaphore, #tpu.memory_space<semaphore_mem>>)
        %dma_wait3A_99 = arith.constant 0 : i32
        %dma_wait3A_100 = tpu.memref_slice %arg4[%add3A_27, %dma_wait3A_99] : memref<2560x128xi32, #tpu.memory_space<hbm>> -> memref<40x128xi32, #tpu.memory_space<hbm>>
        %dma_wait3A_101 = arith.constant 0 : i32
        %dma_wait3A_102 = tpu.memref_slice %arg4[%add3A_27, %dma_wait3A_101] : memref<2560x128xi32, #tpu.memory_space<hbm>> -> memref<40x128xi32, #tpu.memory_space<hbm>>
        tpu.wait_dma2 semaphore(%run_scoped3A_94 : memref<!tpu.dma_semaphore, #tpu.memory_space<semaphore_mem>>) src(%dma_wait3A_102 : memref<40x128xi32, #tpu.memory_space<hbm>>) dst(%arg7 : memref<40x128xi32, #tpu.memory_space<vmem>>)
        tpu.yield
      }) : () -> ()
      %dma_start3A = arith.constant 0 : i32
      %dma_start3A_31 = arith.constant 0 : i32
      %dma_start3A_32 = tpu.memref_slice %arg6[%dma_start3A, %dma_start3A_31] : memref<40x128xi32, #tpu.memory_space<vmem>> -> memref<1x128xi32, #tpu.memory_space<vmem>>
      %dma_start3A_33 = tpu.memref_squeeze %dma_start3A_32 : memref<1x128xi32, #tpu.memory_space<vmem>> -> memref<128xi32, #tpu.memory_space<vmem>>
      %dma_start3A_34 = arith.constant 0 : i32
      %dma_start3A_35 = arith.constant 0 : i32
      %dma_start3A_36 = tpu.memref_slice %arg2[%dma_start3A_34, %dma_start3A_35] : memref<20000x128xf32, #tpu.memory_space<hbm>> -> memref<20000x128xf32, #tpu.memory_space<hbm>>
      tpu.enqueue_indirect_dma source(%dma_start3A_36 : memref<20000x128xf32, #tpu.memory_space<hbm>>) target(%arg8 : memref<128x128xf32, #tpu.memory_space<vmem>>) offsets(%dma_start3A_33 : memref<128xi32, #tpu.memory_space<vmem>>) semaphore(%arg11 : memref<!tpu.dma_semaphore, #tpu.memory_space<semaphore_mem>>)
      %dma_start3A_37 = arith.constant 1 : i32
      %dma_start3A_38 = arith.constant 0 : i32
      %dma_start3A_39 = tpu.memref_slice %arg6[%dma_start3A_37, %dma_start3A_38] : memref<40x128xi32, #tpu.memory_space<vmem>> -> memref<1x128xi32, #tpu.memory_space<vmem>>
      %dma_start3A_40 = tpu.memref_squeeze %dma_start3A_39 : memref<1x128xi32, #tpu.memory_space<vmem>> -> memref<128xi32, #tpu.memory_space<vmem>>
      %dma_start3A_41 = arith.constant 0 : i32
      %dma_start3A_42 = arith.constant 0 : i32
      %dma_start3A_43 = tpu.memref_slice %arg2[%dma_start3A_41, %dma_start3A_42] : memref<20000x128xf32, #tpu.memory_space<hbm>> -> memref<20000x128xf32, #tpu.memory_space<hbm>>
      tpu.enqueue_indirect_dma source(%dma_start3A_43 : memref<20000x128xf32, #tpu.memory_space<hbm>>) target(%arg9 : memref<128x128xf32, #tpu.memory_space<vmem>>) offsets(%dma_start3A_40 : memref<128xi32, #tpu.memory_space<vmem>>) semaphore(%arg12 : memref<!tpu.dma_semaphore, #tpu.memory_space<semaphore_mem>>)
      %scan3A_44 = arith.constant 0 : i32
      %scan3A_45 = arith.constant 0 : i32
      %scan3A_46 = arith.constant 9 : i32
      %scan3A_47 = arith.addi %scan3A_45, %scan3A_46 : i32
      %scan3A_48 = arith.constant 1 : i32
      scf.for %scan3A_94 = %scan3A_45 to %scan3A_47 step %scan3A_48  : i32 {
        %mul3A_95 = arith.constant 4 : i32
        %mul3A_96 = arith.muli %mul3A_95, %scan3A_94 : i32
        %dma_wait3A_97 = arith.constant 0 : i32
        %dma_wait3A_98 = tpu.memref_slice %arg6[%mul3A_96, %dma_wait3A_97] : memref<40x128xi32, #tpu.memory_space<vmem>> -> memref<1x128xi32, #tpu.memory_space<vmem>>
        %dma_wait3A_99 = tpu.memref_squeeze %dma_wait3A_98 : memref<1x128xi32, #tpu.memory_space<vmem>> -> memref<128xi32, #tpu.memory_space<vmem>>
        %dma_wait3A_100 = arith.constant 0 : i32
        %dma_wait3A_101 = arith.constant 0 : i32
        %dma_wait3A_102 = tpu.memref_slice %arg2[%dma_wait3A_100, %dma_wait3A_101] : memref<20000x128xf32, #tpu.memory_space<hbm>> -> memref<20000x128xf32, #tpu.memory_space<hbm>>
        tpu.wait_indirect_dma semaphore(%arg11 : memref<!tpu.dma_semaphore, #tpu.memory_space<semaphore_mem>>) src(%dma_wait3A_102 : memref<20000x128xf32, #tpu.memory_space<hbm>>) dst(%arg8 : memref<128x128xf32, #tpu.memory_space<vmem>>)
        "tpu.region"() ({
          %run_scoped3A_159 = tpu.sem_alloc : memref<!tpu.dma_semaphore, #tpu.memory_space<semaphore_mem>>
          %dma_start3A_160 = arith.constant 0 : i32
          %dma_start3A_161 = tpu.memref_slice %arg7[%mul3A_96, %dma_start3A_160] : memref<40x128xi32, #tpu.memory_space<vmem>> -> memref<1x128xi32, #tpu.memory_space<vmem>>
          %dma_start3A_162 = tpu.memref_squeeze %dma_start3A_161 : memref<1x128xi32, #tpu.memory_space<vmem>> -> memref<128xi32, #tpu.memory_space<vmem>>
          %dma_start3A_163 = arith.constant 0 : i32
          %dma_start3A_164 = arith.constant 0 : i32
          %dma_start3A_165 = tpu.memref_slice %arg10[%dma_start3A_163, %dma_start3A_164] : memref<10016x128xf32, #tpu.memory_space<vmem_shared>> -> memref<10016x128xf32, #tpu.memory_space<vmem_shared>>
          tpu.enqueue_indirect_dma source(%arg8 : memref<128x128xf32, #tpu.memory_space<vmem>>) target(%dma_start3A_165 : memref<10016x128xf32, #tpu.memory_space<vmem_shared>>) offsets(%dma_start3A_162 : memref<128xi32, #tpu.memory_space<vmem>>) semaphore(%run_scoped3A_159 : memref<!tpu.dma_semaphore, #tpu.memory_space<semaphore_mem>>) {add = true}
          %dma_wait3A_166 = arith.constant 0 : i32
          %dma_wait3A_167 = tpu.memref_slice %arg7[%mul3A_96, %dma_wait3A_166] : memref<40x128xi32, #tpu.memory_space<vmem>> -> memref<1x128xi32, #tpu.memory_space<vmem>>
          %dma_wait3A_168 = tpu.memref_squeeze %dma_wait3A_167 : memref<1x128xi32, #tpu.memory_space<vmem>> -> memref<128xi32, #tpu.memory_space<vmem>>
          %dma_wait3A_169 = arith.constant 0 : i32
          %dma_wait3A_170 = arith.constant 0 : i32
          %dma_wait3A_171 = tpu.memref_slice %arg10[%dma_wait3A_169, %dma_wait3A_170] : memref<10016x128xf32, #tpu.memory_space<vmem_shared>> -> memref<10016x128xf32, #tpu.memory_space<vmem_shared>>
          tpu.wait_indirect_dma semaphore(%run_scoped3A_159 : memref<!tpu.dma_semaphore, #tpu.memory_space<semaphore_mem>>) src(%arg8 : memref<128x128xf32, #tpu.memory_space<vmem>>) dst(%dma_wait3A_171 : memref<10016x128xf32, #tpu.memory_space<vmem_shared>>)
          tpu.yield
        }) : () -> ()
        %add3A_103 = arith.constant 2 : i32
        %add3A_104 = arith.addi %mul3A_96, %add3A_103 : i32
        %dma_start3A_105 = arith.constant 0 : i32
        %dma_start3A_106 = tpu.memref_slice %arg6[%add3A_104, %dma_start3A_105] : memref<40x128xi32, #tpu.memory_space<vmem>> -> memref<1x128xi32, #tpu.memory_space<vmem>>
        %dma_start3A_107 = tpu.memref_squeeze %dma_start3A_106 : memref<1x128xi32, #tpu.memory_space<vmem>> -> memref<128xi32, #tpu.memory_space<vmem>>
        %dma_start3A_108 = arith.constant 0 : i32
        %dma_start3A_109 = arith.constant 0 : i32
        %dma_start3A_110 = tpu.memref_slice %arg2[%dma_start3A_108, %dma_start3A_109] : memref<20000x128xf32, #tpu.memory_space<hbm>> -> memref<20000x128xf32, #tpu.memory_space<hbm>>
        tpu.enqueue_indirect_dma source(%dma_start3A_110 : memref<20000x128xf32, #tpu.memory_space<hbm>>) target(%arg8 : memref<128x128xf32, #tpu.memory_space<vmem>>) offsets(%dma_start3A_107 : memref<128xi32, #tpu.memory_space<vmem>>) semaphore(%arg11 : memref<!tpu.dma_semaphore, #tpu.memory_space<semaphore_mem>>)
        %add3A_111 = arith.constant 1 : i32
        %add3A_112 = arith.addi %mul3A_96, %add3A_111 : i32
        %dma_wait3A_113 = arith.constant 0 : i32
        %dma_wait3A_114 = tpu.memref_slice %arg6[%add3A_112, %dma_wait3A_113] : memref<40x128xi32, #tpu.memory_space<vmem>> -> memref<1x128xi32, #tpu.memory_space<vmem>>
        %dma_wait3A_115 = tpu.memref_squeeze %dma_wait3A_114 : memref<1x128xi32, #tpu.memory_space<vmem>> -> memref<128xi32, #tpu.memory_space<vmem>>
        %dma_wait3A_116 = arith.constant 0 : i32
        %dma_wait3A_117 = arith.constant 0 : i32
        %dma_wait3A_118 = tpu.memref_slice %arg2[%dma_wait3A_116, %dma_wait3A_117] : memref<20000x128xf32, #tpu.memory_space<hbm>> -> memref<20000x128xf32, #tpu.memory_space<hbm>>
        tpu.wait_indirect_dma semaphore(%arg12 : memref<!tpu.dma_semaphore, #tpu.memory_space<semaphore_mem>>) src(%dma_wait3A_118 : memref<20000x128xf32, #tpu.memory_space<hbm>>) dst(%arg9 : memref<128x128xf32, #tpu.memory_space<vmem>>)
        "tpu.region"() ({
          %run_scoped3A_159 = tpu.sem_alloc : memref<!tpu.dma_semaphore, #tpu.memory_space<semaphore_mem>>
          %dma_start3A_160 = arith.constant 0 : i32
          %dma_start3A_161 = tpu.memref_slice %arg7[%add3A_112, %dma_start3A_160] : memref<40x128xi32, #tpu.memory_space<vmem>> -> memref<1x128xi32, #tpu.memory_space<vmem>>
          %dma_start3A_162 = tpu.memref_squeeze %dma_start3A_161 : memref<1x128xi32, #tpu.memory_space<vmem>> -> memref<128xi32, #tpu.memory_space<vmem>>
          %dma_start3A_163 = arith.constant 0 : i32
          %dma_start3A_164 = arith.constant 0 : i32
          %dma_start3A_165 = tpu.memref_slice %arg10[%dma_start3A_163, %dma_start3A_164] : memref<10016x128xf32, #tpu.memory_space<vmem_shared>> -> memref<10016x128xf32, #tpu.memory_space<vmem_shared>>
          tpu.enqueue_indirect_dma source(%arg9 : memref<128x128xf32, #tpu.memory_space<vmem>>) target(%dma_start3A_165 : memref<10016x128xf32, #tpu.memory_space<vmem_shared>>) offsets(%dma_start3A_162 : memref<128xi32, #tpu.memory_space<vmem>>) semaphore(%run_scoped3A_159 : memref<!tpu.dma_semaphore, #tpu.memory_space<semaphore_mem>>) {add = true}
          %dma_wait3A_166 = arith.constant 0 : i32
          %dma_wait3A_167 = tpu.memref_slice %arg7[%add3A_112, %dma_wait3A_166] : memref<40x128xi32, #tpu.memory_space<vmem>> -> memref<1x128xi32, #tpu.memory_space<vmem>>
          %dma_wait3A_168 = tpu.memref_squeeze %dma_wait3A_167 : memref<1x128xi32, #tpu.memory_space<vmem>> -> memref<128xi32, #tpu.memory_space<vmem>>
          %dma_wait3A_169 = arith.constant 0 : i32
          %dma_wait3A_170 = arith.constant 0 : i32
          %dma_wait3A_171 = tpu.memref_slice %arg10[%dma_wait3A_169, %dma_wait3A_170] : memref<10016x128xf32, #tpu.memory_space<vmem_shared>> -> memref<10016x128xf32, #tpu.memory_space<vmem_shared>>
          tpu.wait_indirect_dma semaphore(%run_scoped3A_159 : memref<!tpu.dma_semaphore, #tpu.memory_space<semaphore_mem>>) src(%arg9 : memref<128x128xf32, #tpu.memory_space<vmem>>) dst(%dma_wait3A_171 : memref<10016x128xf32, #tpu.memory_space<vmem_shared>>)
          tpu.yield
        }) : () -> ()
        %add3A_119 = arith.constant 2 : i32
        %add3A_120 = arith.addi %add3A_112, %add3A_119 : i32
        %dma_start3A_121 = arith.constant 0 : i32
        %dma_start3A_122 = tpu.memref_slice %arg6[%add3A_120, %dma_start3A_121] : memref<40x128xi32, #tpu.memory_space<vmem>> -> memref<1x128xi32, #tpu.memory_space<vmem>>
        %dma_start3A_123 = tpu.memref_squeeze %dma_start3A_122 : memref<1x128xi32, #tpu.memory_space<vmem>> -> memref<128xi32, #tpu.memory_space<vmem>>
        %dma_start3A_124 = arith.constant 0 : i32
        %dma_start3A_125 = arith.constant 0 : i32
        %dma_start3A_126 = tpu.memref_slice %arg2[%dma_start3A_124, %dma_start3A_125] : memref<20000x128xf32, #tpu.memory_space<hbm>> -> memref<20000x128xf32, #tpu.memory_space<hbm>>
        tpu.enqueue_indirect_dma source(%dma_start3A_126 : memref<20000x128xf32, #tpu.memory_space<hbm>>) target(%arg9 : memref<128x128xf32, #tpu.memory_space<vmem>>) offsets(%dma_start3A_123 : memref<128xi32, #tpu.memory_space<vmem>>) semaphore(%arg12 : memref<!tpu.dma_semaphore, #tpu.memory_space<semaphore_mem>>)
        %add3A_127 = arith.constant 2 : i32
        %add3A_128 = arith.addi %mul3A_96, %add3A_127 : i32
        %dma_wait3A_129 = arith.constant 0 : i32
        %dma_wait3A_130 = tpu.memref_slice %arg6[%add3A_128, %dma_wait3A_129] : memref<40x128xi32, #tpu.memory_space<vmem>> -> memref<1x128xi32, #tpu.memory_space<vmem>>
        %dma_wait3A_131 = tpu.memref_squeeze %dma_wait3A_130 : memref<1x128xi32, #tpu.memory_space<vmem>> -> memref<128xi32, #tpu.memory_space<vmem>>
        %dma_wait3A_132 = arith.constant 0 : i32
        %dma_wait3A_133 = arith.constant 0 : i32
        %dma_wait3A_134 = tpu.memref_slice %arg2[%dma_wait3A_132, %dma_wait3A_133] : memref<20000x128xf32, #tpu.memory_space<hbm>> -> memref<20000x128xf32, #tpu.memory_space<hbm>>
        tpu.wait_indirect_dma semaphore(%arg11 : memref<!tpu.dma_semaphore, #tpu.memory_space<semaphore_mem>>) src(%dma_wait3A_134 : memref<20000x128xf32, #tpu.memory_space<hbm>>) dst(%arg8 : memref<128x128xf32, #tpu.memory_space<vmem>>)
        "tpu.region"() ({
          %run_scoped3A_159 = tpu.sem_alloc : memref<!tpu.dma_semaphore, #tpu.memory_space<semaphore_mem>>
          %dma_start3A_160 = arith.constant 0 : i32
          %dma_start3A_161 = tpu.memref_slice %arg7[%add3A_128, %dma_start3A_160] : memref<40x128xi32, #tpu.memory_space<vmem>> -> memref<1x128xi32, #tpu.memory_space<vmem>>
          %dma_start3A_162 = tpu.memref_squeeze %dma_start3A_161 : memref<1x128xi32, #tpu.memory_space<vmem>> -> memref<128xi32, #tpu.memory_space<vmem>>
          %dma_start3A_163 = arith.constant 0 : i32
          %dma_start3A_164 = arith.constant 0 : i32
          %dma_start3A_165 = tpu.memref_slice %arg10[%dma_start3A_163, %dma_start3A_164] : memref<10016x128xf32, #tpu.memory_space<vmem_shared>> -> memref<10016x128xf32, #tpu.memory_space<vmem_shared>>
          tpu.enqueue_indirect_dma source(%arg8 : memref<128x128xf32, #tpu.memory_space<vmem>>) target(%dma_start3A_165 : memref<10016x128xf32, #tpu.memory_space<vmem_shared>>) offsets(%dma_start3A_162 : memref<128xi32, #tpu.memory_space<vmem>>) semaphore(%run_scoped3A_159 : memref<!tpu.dma_semaphore, #tpu.memory_space<semaphore_mem>>) {add = true}
          %dma_wait3A_166 = arith.constant 0 : i32
          %dma_wait3A_167 = tpu.memref_slice %arg7[%add3A_128, %dma_wait3A_166] : memref<40x128xi32, #tpu.memory_space<vmem>> -> memref<1x128xi32, #tpu.memory_space<vmem>>
          %dma_wait3A_168 = tpu.memref_squeeze %dma_wait3A_167 : memref<1x128xi32, #tpu.memory_space<vmem>> -> memref<128xi32, #tpu.memory_space<vmem>>
          %dma_wait3A_169 = arith.constant 0 : i32
          %dma_wait3A_170 = arith.constant 0 : i32
          %dma_wait3A_171 = tpu.memref_slice %arg10[%dma_wait3A_169, %dma_wait3A_170] : memref<10016x128xf32, #tpu.memory_space<vmem_shared>> -> memref<10016x128xf32, #tpu.memory_space<vmem_shared>>
          tpu.wait_indirect_dma semaphore(%run_scoped3A_159 : memref<!tpu.dma_semaphore, #tpu.memory_space<semaphore_mem>>) src(%arg8 : memref<128x128xf32, #tpu.memory_space<vmem>>) dst(%dma_wait3A_171 : memref<10016x128xf32, #tpu.memory_space<vmem_shared>>)
          tpu.yield
        }) : () -> ()
        %add3A_135 = arith.constant 2 : i32
        %add3A_136 = arith.addi %add3A_128, %add3A_135 : i32
        %dma_start3A_137 = arith.constant 0 : i32
        %dma_start3A_138 = tpu.memref_slice %arg6[%add3A_136, %dma_start3A_137] : memref<40x128xi32, #tpu.memory_space<vmem>> -> memref<1x128xi32, #tpu.memory_space<vmem>>
        %dma_start3A_139 = tpu.memref_squeeze %dma_start3A_138 : memref<1x128xi32, #tpu.memory_space<vmem>> -> memref<128xi32, #tpu.memory_space<vmem>>
        %dma_start3A_140 = arith.constant 0 : i32
        %dma_start3A_141 = arith.constant 0 : i32
        %dma_start3A_142 = tpu.memref_slice %arg2[%dma_start3A_140, %dma_start3A_141] : memref<20000x128xf32, #tpu.memory_space<hbm>> -> memref<20000x128xf32, #tpu.memory_space<hbm>>
        tpu.enqueue_indirect_dma source(%dma_start3A_142 : memref<20000x128xf32, #tpu.memory_space<hbm>>) target(%arg8 : memref<128x128xf32, #tpu.memory_space<vmem>>) offsets(%dma_start3A_139 : memref<128xi32, #tpu.memory_space<vmem>>) semaphore(%arg11 : memref<!tpu.dma_semaphore, #tpu.memory_space<semaphore_mem>>)
        %add3A_143 = arith.constant 3 : i32
        %add3A_144 = arith.addi %mul3A_96, %add3A_143 : i32
        %dma_wait3A_145 = arith.constant 0 : i32
        %dma_wait3A_146 = tpu.memref_slice %arg6[%add3A_144, %dma_wait3A_145] : memref<40x128xi32, #tpu.memory_space<vmem>> -> memref<1x128xi32, #tpu.memory_space<vmem>>
        %dma_wait3A_147 = tpu.memref_squeeze %dma_wait3A_146 : memref<1x128xi32, #tpu.memory_space<vmem>> -> memref<128xi32, #tpu.memory_space<vmem>>
        %dma_wait3A_148 = arith.constant 0 : i32
        %dma_wait3A_149 = arith.constant 0 : i32
        %dma_wait3A_150 = tpu.memref_slice %arg2[%dma_wait3A_148, %dma_wait3A_149] : memref<20000x128xf32, #tpu.memory_space<hbm>> -> memref<20000x128xf32, #tpu.memory_space<hbm>>
        tpu.wait_indirect_dma semaphore(%arg12 : memref<!tpu.dma_semaphore, #tpu.memory_space<semaphore_mem>>) src(%dma_wait3A_150 : memref<20000x128xf32, #tpu.memory_space<hbm>>) dst(%arg9 : memref<128x128xf32, #tpu.memory_space<vmem>>)
        "tpu.region"() ({
          %run_scoped3A_159 = tpu.sem_alloc : memref<!tpu.dma_semaphore, #tpu.memory_space<semaphore_mem>>
          %dma_start3A_160 = arith.constant 0 : i32
          %dma_start3A_161 = tpu.memref_slice %arg7[%add3A_144, %dma_start3A_160] : memref<40x128xi32, #tpu.memory_space<vmem>> -> memref<1x128xi32, #tpu.memory_space<vmem>>
          %dma_start3A_162 = tpu.memref_squeeze %dma_start3A_161 : memref<1x128xi32, #tpu.memory_space<vmem>> -> memref<128xi32, #tpu.memory_space<vmem>>
          %dma_start3A_163 = arith.constant 0 : i32
          %dma_start3A_164 = arith.constant 0 : i32
          %dma_start3A_165 = tpu.memref_slice %arg10[%dma_start3A_163, %dma_start3A_164] : memref<10016x128xf32, #tpu.memory_space<vmem_shared>> -> memref<10016x128xf32, #tpu.memory_space<vmem_shared>>
          tpu.enqueue_indirect_dma source(%arg9 : memref<128x128xf32, #tpu.memory_space<vmem>>) target(%dma_start3A_165 : memref<10016x128xf32, #tpu.memory_space<vmem_shared>>) offsets(%dma_start3A_162 : memref<128xi32, #tpu.memory_space<vmem>>) semaphore(%run_scoped3A_159 : memref<!tpu.dma_semaphore, #tpu.memory_space<semaphore_mem>>) {add = true}
          %dma_wait3A_166 = arith.constant 0 : i32
          %dma_wait3A_167 = tpu.memref_slice %arg7[%add3A_144, %dma_wait3A_166] : memref<40x128xi32, #tpu.memory_space<vmem>> -> memref<1x128xi32, #tpu.memory_space<vmem>>
          %dma_wait3A_168 = tpu.memref_squeeze %dma_wait3A_167 : memref<1x128xi32, #tpu.memory_space<vmem>> -> memref<128xi32, #tpu.memory_space<vmem>>
          %dma_wait3A_169 = arith.constant 0 : i32
          %dma_wait3A_170 = arith.constant 0 : i32
          %dma_wait3A_171 = tpu.memref_slice %arg10[%dma_wait3A_169, %dma_wait3A_170] : memref<10016x128xf32, #tpu.memory_space<vmem_shared>> -> memref<10016x128xf32, #tpu.memory_space<vmem_shared>>
          tpu.wait_indirect_dma semaphore(%run_scoped3A_159 : memref<!tpu.dma_semaphore, #tpu.memory_space<semaphore_mem>>) src(%arg9 : memref<128x128xf32, #tpu.memory_space<vmem>>) dst(%dma_wait3A_171 : memref<10016x128xf32, #tpu.memory_space<vmem_shared>>)
          tpu.yield
        }) : () -> ()
        %add3A_151 = arith.constant 2 : i32
        %add3A_152 = arith.addi %add3A_144, %add3A_151 : i32
        %dma_start3A_153 = arith.constant 0 : i32
        %dma_start3A_154 = tpu.memref_slice %arg6[%add3A_152, %dma_start3A_153] : memref<40x128xi32, #tpu.memory_space<vmem>> -> memref<1x128xi32, #tpu.memory_space<vmem>>
        %dma_start3A_155 = tpu.memref_squeeze %dma_start3A_154 : memref<1x128xi32, #tpu.memory_space<vmem>> -> memref<128xi32, #tpu.memory_space<vmem>>
        %dma_start3A_156 = arith.constant 0 : i32
        %dma_start3A_157 = arith.constant 0 : i32
        %dma_start3A_158 = tpu.memref_slice %arg2[%dma_start3A_156, %dma_start3A_157] : memref<20000x128xf32, #tpu.memory_space<hbm>> -> memref<20000x128xf32, #tpu.memory_space<hbm>>
        tpu.enqueue_indirect_dma source(%dma_start3A_158 : memref<20000x128xf32, #tpu.memory_space<hbm>>) target(%arg9 : memref<128x128xf32, #tpu.memory_space<vmem>>) offsets(%dma_start3A_155 : memref<128xi32, #tpu.memory_space<vmem>>) semaphore(%arg12 : memref<!tpu.dma_semaphore, #tpu.memory_space<semaphore_mem>>)
      }
      %scan3A_49 = arith.constant 9 : i32
      %dma_wait3A = arith.constant 36 : i32
      %dma_wait3A_50 = arith.constant 0 : i32
      %dma_wait3A_51 = tpu.memref_slice %arg6[%dma_wait3A, %dma_wait3A_50] : memref<40x128xi32, #tpu.memory_space<vmem>> -> memref<1x128xi32, #tpu.memory_space<vmem>>
      %dma_wait3A_52 = tpu.memref_squeeze %dma_wait3A_51 : memref<1x128xi32, #tpu.memory_space<vmem>> -> memref<128xi32, #tpu.memory_space<vmem>>
      %dma_wait3A_53 = arith.constant 0 : i32
      %dma_wait3A_54 = arith.constant 0 : i32
      %dma_wait3A_55 = tpu.memref_slice %arg2[%dma_wait3A_53, %dma_wait3A_54] : memref<20000x128xf32, #tpu.memory_space<hbm>> -> memref<20000x128xf32, #tpu.memory_space<hbm>>
      tpu.wait_indirect_dma semaphore(%arg11 : memref<!tpu.dma_semaphore, #tpu.memory_space<semaphore_mem>>) src(%dma_wait3A_55 : memref<20000x128xf32, #tpu.memory_space<hbm>>) dst(%arg8 : memref<128x128xf32, #tpu.memory_space<vmem>>)
      %run_scoped3A = arith.constant 36 : i32
      "tpu.region"() ({
        %run_scoped3A_94 = tpu.sem_alloc : memref<!tpu.dma_semaphore, #tpu.memory_space<semaphore_mem>>
        %dma_start3A_95 = arith.constant 0 : i32
        %dma_start3A_96 = tpu.memref_slice %arg7[%run_scoped3A, %dma_start3A_95] : memref<40x128xi32, #tpu.memory_space<vmem>> -> memref<1x128xi32, #tpu.memory_space<vmem>>
        %dma_start3A_97 = tpu.memref_squeeze %dma_start3A_96 : memref<1x128xi32, #tpu.memory_space<vmem>> -> memref<128xi32, #tpu.memory_space<vmem>>
        %dma_start3A_98 = arith.constant 0 : i32
        %dma_start3A_99 = arith.constant 0 : i32
        %dma_start3A_100 = tpu.memref_slice %arg10[%dma_start3A_98, %dma_start3A_99] : memref<10016x128xf32, #tpu.memory_space<vmem_shared>> -> memref<10016x128xf32, #tpu.memory_space<vmem_shared>>
        tpu.enqueue_indirect_dma source(%arg8 : memref<128x128xf32, #tpu.memory_space<vmem>>) target(%dma_start3A_100 : memref<10016x128xf32, #tpu.memory_space<vmem_shared>>) offsets(%dma_start3A_97 : memref<128xi32, #tpu.memory_space<vmem>>) semaphore(%run_scoped3A_94 : memref<!tpu.dma_semaphore, #tpu.memory_space<semaphore_mem>>) {add = true}
        %dma_wait3A_101 = arith.constant 0 : i32
        %dma_wait3A_102 = tpu.memref_slice %arg7[%run_scoped3A, %dma_wait3A_101] : memref<40x128xi32, #tpu.memory_space<vmem>> -> memref<1x128xi32, #tpu.memory_space<vmem>>
        %dma_wait3A_103 = tpu.memref_squeeze %dma_wait3A_102 : memref<1x128xi32, #tpu.memory_space<vmem>> -> memref<128xi32, #tpu.memory_space<vmem>>
        %dma_wait3A_104 = arith.constant 0 : i32
        %dma_wait3A_105 = arith.constant 0 : i32
        %dma_wait3A_106 = tpu.memref_slice %arg10[%dma_wait3A_104, %dma_wait3A_105] : memref<10016x128xf32, #tpu.memory_space<vmem_shared>> -> memref<10016x128xf32, #tpu.memory_space<vmem_shared>>
        tpu.wait_indirect_dma semaphore(%run_scoped3A_94 : memref<!tpu.dma_semaphore, #tpu.memory_space<semaphore_mem>>) src(%arg8 : memref<128x128xf32, #tpu.memory_space<vmem>>) dst(%dma_wait3A_106 : memref<10016x128xf32, #tpu.memory_space<vmem_shared>>)
        tpu.yield
      }) : () -> ()
      %dma_start3A_56 = arith.constant 38 : i32
      %dma_start3A_57 = arith.constant 0 : i32
      %dma_start3A_58 = tpu.memref_slice %arg6[%dma_start3A_56, %dma_start3A_57] : memref<40x128xi32, #tpu.memory_space<vmem>> -> memref<1x128xi32, #tpu.memory_space<vmem>>
      %dma_start3A_59 = tpu.memref_squeeze %dma_start3A_58 : memref<1x128xi32, #tpu.memory_space<vmem>> -> memref<128xi32, #tpu.memory_space<vmem>>
      %dma_start3A_60 = arith.constant 0 : i32
      %dma_start3A_61 = arith.constant 0 : i32
      %dma_start3A_62 = tpu.memref_slice %arg2[%dma_start3A_60, %dma_start3A_61] : memref<20000x128xf32, #tpu.memory_space<hbm>> -> memref<20000x128xf32, #tpu.memory_space<hbm>>
      tpu.enqueue_indirect_dma source(%dma_start3A_62 : memref<20000x128xf32, #tpu.memory_space<hbm>>) target(%arg8 : memref<128x128xf32, #tpu.memory_space<vmem>>) offsets(%dma_start3A_59 : memref<128xi32, #tpu.memory_space<vmem>>) semaphore(%arg11 : memref<!tpu.dma_semaphore, #tpu.memory_space<semaphore_mem>>)
      %dma_wait3A_63 = arith.constant 37 : i32
      %dma_wait3A_64 = arith.constant 0 : i32
      %dma_wait3A_65 = tpu.memref_slice %arg6[%dma_wait3A_63, %dma_wait3A_64] : memref<40x128xi32, #tpu.memory_space<vmem>> -> memref<1x128xi32, #tpu.memory_space<vmem>>
      %dma_wait3A_66 = tpu.memref_squeeze %dma_wait3A_65 : memref<1x128xi32, #tpu.memory_space<vmem>> -> memref<128xi32, #tpu.memory_space<vmem>>
      %dma_wait3A_67 = arith.constant 0 : i32
      %dma_wait3A_68 = arith.constant 0 : i32
      %dma_wait3A_69 = tpu.memref_slice %arg2[%dma_wait3A_67, %dma_wait3A_68] : memref<20000x128xf32, #tpu.memory_space<hbm>> -> memref<20000x128xf32, #tpu.memory_space<hbm>>
      tpu.wait_indirect_dma semaphore(%arg12 : memref<!tpu.dma_semaphore, #tpu.memory_space<semaphore_mem>>) src(%dma_wait3A_69 : memref<20000x128xf32, #tpu.memory_space<hbm>>) dst(%arg9 : memref<128x128xf32, #tpu.memory_space<vmem>>)
      %run_scoped3A_70 = arith.constant 37 : i32
      "tpu.region"() ({
        %run_scoped3A_94 = tpu.sem_alloc : memref<!tpu.dma_semaphore, #tpu.memory_space<semaphore_mem>>
        %dma_start3A_95 = arith.constant 0 : i32
        %dma_start3A_96 = tpu.memref_slice %arg7[%run_scoped3A_70, %dma_start3A_95] : memref<40x128xi32, #tpu.memory_space<vmem>> -> memref<1x128xi32, #tpu.memory_space<vmem>>
        %dma_start3A_97 = tpu.memref_squeeze %dma_start3A_96 : memref<1x128xi32, #tpu.memory_space<vmem>> -> memref<128xi32, #tpu.memory_space<vmem>>
        %dma_start3A_98 = arith.constant 0 : i32
        %dma_start3A_99 = arith.constant 0 : i32
        %dma_start3A_100 = tpu.memref_slice %arg10[%dma_start3A_98, %dma_start3A_99] : memref<10016x128xf32, #tpu.memory_space<vmem_shared>> -> memref<10016x128xf32, #tpu.memory_space<vmem_shared>>
        tpu.enqueue_indirect_dma source(%arg9 : memref<128x128xf32, #tpu.memory_space<vmem>>) target(%dma_start3A_100 : memref<10016x128xf32, #tpu.memory_space<vmem_shared>>) offsets(%dma_start3A_97 : memref<128xi32, #tpu.memory_space<vmem>>) semaphore(%run_scoped3A_94 : memref<!tpu.dma_semaphore, #tpu.memory_space<semaphore_mem>>) {add = true}
        %dma_wait3A_101 = arith.constant 0 : i32
        %dma_wait3A_102 = tpu.memref_slice %arg7[%run_scoped3A_70, %dma_wait3A_101] : memref<40x128xi32, #tpu.memory_space<vmem>> -> memref<1x128xi32, #tpu.memory_space<vmem>>
        %dma_wait3A_103 = tpu.memref_squeeze %dma_wait3A_102 : memref<1x128xi32, #tpu.memory_space<vmem>> -> memref<128xi32, #tpu.memory_space<vmem>>
        %dma_wait3A_104 = arith.constant 0 : i32
        %dma_wait3A_105 = arith.constant 0 : i32
        %dma_wait3A_106 = tpu.memref_slice %arg10[%dma_wait3A_104, %dma_wait3A_105] : memref<10016x128xf32, #tpu.memory_space<vmem_shared>> -> memref<10016x128xf32, #tpu.memory_space<vmem_shared>>
        tpu.wait_indirect_dma semaphore(%run_scoped3A_94 : memref<!tpu.dma_semaphore, #tpu.memory_space<semaphore_mem>>) src(%arg9 : memref<128x128xf32, #tpu.memory_space<vmem>>) dst(%dma_wait3A_106 : memref<10016x128xf32, #tpu.memory_space<vmem_shared>>)
        tpu.yield
      }) : () -> ()
      %dma_start3A_71 = arith.constant 39 : i32
      %dma_start3A_72 = arith.constant 0 : i32
      %dma_start3A_73 = tpu.memref_slice %arg6[%dma_start3A_71, %dma_start3A_72] : memref<40x128xi32, #tpu.memory_space<vmem>> -> memref<1x128xi32, #tpu.memory_space<vmem>>
      %dma_start3A_74 = tpu.memref_squeeze %dma_start3A_73 : memref<1x128xi32, #tpu.memory_space<vmem>> -> memref<128xi32, #tpu.memory_space<vmem>>
      %dma_start3A_75 = arith.constant 0 : i32
      %dma_start3A_76 = arith.constant 0 : i32
      %dma_start3A_77 = tpu.memref_slice %arg2[%dma_start3A_75, %dma_start3A_76] : memref<20000x128xf32, #tpu.memory_space<hbm>> -> memref<20000x128xf32, #tpu.memory_space<hbm>>
      tpu.enqueue_indirect_dma source(%dma_start3A_77 : memref<20000x128xf32, #tpu.memory_space<hbm>>) target(%arg9 : memref<128x128xf32, #tpu.memory_space<vmem>>) offsets(%dma_start3A_74 : memref<128xi32, #tpu.memory_space<vmem>>) semaphore(%arg12 : memref<!tpu.dma_semaphore, #tpu.memory_space<semaphore_mem>>)
      %dma_wait3A_78 = arith.constant 38 : i32
      %dma_wait3A_79 = arith.constant 0 : i32
      %dma_wait3A_80 = tpu.memref_slice %arg6[%dma_wait3A_78, %dma_wait3A_79] : memref<40x128xi32, #tpu.memory_space<vmem>> -> memref<1x128xi32, #tpu.memory_space<vmem>>
      %dma_wait3A_81 = tpu.memref_squeeze %dma_wait3A_80 : memref<1x128xi32, #tpu.memory_space<vmem>> -> memref<128xi32, #tpu.memory_space<vmem>>
      %dma_wait3A_82 = arith.constant 0 : i32
      %dma_wait3A_83 = arith.constant 0 : i32
      %dma_wait3A_84 = tpu.memref_slice %arg2[%dma_wait3A_82, %dma_wait3A_83] : memref<20000x128xf32, #tpu.memory_space<hbm>> -> memref<20000x128xf32, #tpu.memory_space<hbm>>
      tpu.wait_indirect_dma semaphore(%arg11 : memref<!tpu.dma_semaphore, #tpu.memory_space<semaphore_mem>>) src(%dma_wait3A_84 : memref<20000x128xf32, #tpu.memory_space<hbm>>) dst(%arg8 : memref<128x128xf32, #tpu.memory_space<vmem>>)
      %run_scoped3A_85 = arith.constant 38 : i32
      "tpu.region"() ({
        %run_scoped3A_94 = tpu.sem_alloc : memref<!tpu.dma_semaphore, #tpu.memory_space<semaphore_mem>>
        %dma_start3A_95 = arith.constant 0 : i32
        %dma_start3A_96 = tpu.memref_slice %arg7[%run_scoped3A_85, %dma_start3A_95] : memref<40x128xi32, #tpu.memory_space<vmem>> -> memref<1x128xi32, #tpu.memory_space<vmem>>
        %dma_start3A_97 = tpu.memref_squeeze %dma_start3A_96 : memref<1x128xi32, #tpu.memory_space<vmem>> -> memref<128xi32, #tpu.memory_space<vmem>>
        %dma_start3A_98 = arith.constant 0 : i32
        %dma_start3A_99 = arith.constant 0 : i32
        %dma_start3A_100 = tpu.memref_slice %arg10[%dma_start3A_98, %dma_start3A_99] : memref<10016x128xf32, #tpu.memory_space<vmem_shared>> -> memref<10016x128xf32, #tpu.memory_space<vmem_shared>>
        tpu.enqueue_indirect_dma source(%arg8 : memref<128x128xf32, #tpu.memory_space<vmem>>) target(%dma_start3A_100 : memref<10016x128xf32, #tpu.memory_space<vmem_shared>>) offsets(%dma_start3A_97 : memref<128xi32, #tpu.memory_space<vmem>>) semaphore(%run_scoped3A_94 : memref<!tpu.dma_semaphore, #tpu.memory_space<semaphore_mem>>) {add = true}
        %dma_wait3A_101 = arith.constant 0 : i32
        %dma_wait3A_102 = tpu.memref_slice %arg7[%run_scoped3A_85, %dma_wait3A_101] : memref<40x128xi32, #tpu.memory_space<vmem>> -> memref<1x128xi32, #tpu.memory_space<vmem>>
        %dma_wait3A_103 = tpu.memref_squeeze %dma_wait3A_102 : memref<1x128xi32, #tpu.memory_space<vmem>> -> memref<128xi32, #tpu.memory_space<vmem>>
        %dma_wait3A_104 = arith.constant 0 : i32
        %dma_wait3A_105 = arith.constant 0 : i32
        %dma_wait3A_106 = tpu.memref_slice %arg10[%dma_wait3A_104, %dma_wait3A_105] : memref<10016x128xf32, #tpu.memory_space<vmem_shared>> -> memref<10016x128xf32, #tpu.memory_space<vmem_shared>>
        tpu.wait_indirect_dma semaphore(%run_scoped3A_94 : memref<!tpu.dma_semaphore, #tpu.memory_space<semaphore_mem>>) src(%arg8 : memref<128x128xf32, #tpu.memory_space<vmem>>) dst(%dma_wait3A_106 : memref<10016x128xf32, #tpu.memory_space<vmem_shared>>)
        tpu.yield
      }) : () -> ()
      %dma_wait3A_86 = arith.constant 39 : i32
      %dma_wait3A_87 = arith.constant 0 : i32
      %dma_wait3A_88 = tpu.memref_slice %arg6[%dma_wait3A_86, %dma_wait3A_87] : memref<40x128xi32, #tpu.memory_space<vmem>> -> memref<1x128xi32, #tpu.memory_space<vmem>>
      %dma_wait3A_89 = tpu.memref_squeeze %dma_wait3A_88 : memref<1x128xi32, #tpu.memory_space<vmem>> -> memref<128xi32, #tpu.memory_space<vmem>>
      %dma_wait3A_90 = arith.constant 0 : i32
      %dma_wait3A_91 = arith.constant 0 : i32
      %dma_wait3A_92 = tpu.memref_slice %arg2[%dma_wait3A_90, %dma_wait3A_91] : memref<20000x128xf32, #tpu.memory_space<hbm>> -> memref<20000x128xf32, #tpu.memory_space<hbm>>
      tpu.wait_indirect_dma semaphore(%arg12 : memref<!tpu.dma_semaphore, #tpu.memory_space<semaphore_mem>>) src(%dma_wait3A_92 : memref<20000x128xf32, #tpu.memory_space<hbm>>) dst(%arg9 : memref<128x128xf32, #tpu.memory_space<vmem>>)
      %run_scoped3A_93 = arith.constant 39 : i32
      "tpu.region"() ({
        %run_scoped3A_94 = tpu.sem_alloc : memref<!tpu.dma_semaphore, #tpu.memory_space<semaphore_mem>>
        %dma_start3A_95 = arith.constant 0 : i32
        %dma_start3A_96 = tpu.memref_slice %arg7[%run_scoped3A_93, %dma_start3A_95] : memref<40x128xi32, #tpu.memory_space<vmem>> -> memref<1x128xi32, #tpu.memory_space<vmem>>
        %dma_start3A_97 = tpu.memref_squeeze %dma_start3A_96 : memref<1x128xi32, #tpu.memory_space<vmem>> -> memref<128xi32, #tpu.memory_space<vmem>>
        %dma_start3A_98 = arith.constant 0 : i32
        %dma_start3A_99 = arith.constant 0 : i32
        %dma_start3A_100 = tpu.memref_slice %arg10[%dma_start3A_98, %dma_start3A_99] : memref<10016x128xf32, #tpu.memory_space<vmem_shared>> -> memref<10016x128xf32, #tpu.memory_space<vmem_shared>>
        tpu.enqueue_indirect_dma source(%arg9 : memref<128x128xf32, #tpu.memory_space<vmem>>) target(%dma_start3A_100 : memref<10016x128xf32, #tpu.memory_space<vmem_shared>>) offsets(%dma_start3A_97 : memref<128xi32, #tpu.memory_space<vmem>>) semaphore(%run_scoped3A_94 : memref<!tpu.dma_semaphore, #tpu.memory_space<semaphore_mem>>) {add = true}
        %dma_wait3A_101 = arith.constant 0 : i32
        %dma_wait3A_102 = tpu.memref_slice %arg7[%run_scoped3A_93, %dma_wait3A_101] : memref<40x128xi32, #tpu.memory_space<vmem>> -> memref<1x128xi32, #tpu.memory_space<vmem>>
        %dma_wait3A_103 = tpu.memref_squeeze %dma_wait3A_102 : memref<1x128xi32, #tpu.memory_space<vmem>> -> memref<128xi32, #tpu.memory_space<vmem>>
        %dma_wait3A_104 = arith.constant 0 : i32
        %dma_wait3A_105 = arith.constant 0 : i32
        %dma_wait3A_106 = tpu.memref_slice %arg10[%dma_wait3A_104, %dma_wait3A_105] : memref<10016x128xf32, #tpu.memory_space<vmem_shared>> -> memref<10016x128xf32, #tpu.memory_space<vmem_shared>>
        tpu.wait_indirect_dma semaphore(%run_scoped3A_94 : memref<!tpu.dma_semaphore, #tpu.memory_space<semaphore_mem>>) src(%arg9 : memref<128x128xf32, #tpu.memory_space<vmem>>) dst(%dma_wait3A_106 : memref<10016x128xf32, #tpu.memory_space<vmem_shared>>)
        tpu.yield
      }) : () -> ()
    }
    %scan3A_14 = arith.constant 2 : i32
    %barrier3A_15 = arith.constant 0 : index
    tpu.barrier barrier_id(%barrier3A_15)
    %mul3A_16 = arith.constant 10000 : i32
    %mul3A_17 = arith.muli %arg0, %mul3A_16 : i32
    %add3A_18 = arith.addi %mul3A_17, %mul3A_0 : i32
    "tpu.region"() ({
      %run_scoped3A = tpu.sem_alloc : memref<!tpu.dma_semaphore, #tpu.memory_space<semaphore_mem>>
      %dma_start3A = arith.constant 0 : i32
      %dma_start3A_24 = tpu.memref_slice %arg5[%add3A_18, %dma_start3A] : memref<20000x128xf32, #tpu.memory_space<hbm>> -> memref<624x128xf32, #tpu.memory_space<hbm>>
      %dma_start3A_25 = arith.constant 0 : i32
      %dma_start3A_26 = tpu.memref_slice %arg10[%mul3A_0, %dma_start3A_25] : memref<10016x128xf32, #tpu.memory_space<vmem_shared>> -> memref<624x128xf32, #tpu.memory_space<vmem_shared>>
      tpu.enqueue_dma source(%dma_start3A_26 : memref<624x128xf32, #tpu.memory_space<vmem_shared>>) target(%dma_start3A_24 : memref<624x128xf32, #tpu.memory_space<hbm>>) target_semaphore(%run_scoped3A : memref<!tpu.dma_semaphore, #tpu.memory_space<semaphore_mem>>)
      %dma_wait3A = arith.constant 0 : i32
      %dma_wait3A_27 = tpu.memref_slice %arg5[%add3A_18, %dma_wait3A] : memref<20000x128xf32, #tpu.memory_space<hbm>> -> memref<624x128xf32, #tpu.memory_space<hbm>>
      %dma_wait3A_28 = arith.constant 0 : i32
      %dma_wait3A_29 = tpu.memref_slice %arg10[%mul3A_0, %dma_wait3A_28] : memref<10016x128xf32, #tpu.memory_space<vmem_shared>> -> memref<624x128xf32, #tpu.memory_space<vmem_shared>>
      tpu.wait_dma2 semaphore(%run_scoped3A : memref<!tpu.dma_semaphore, #tpu.memory_space<semaphore_mem>>) src(%dma_wait3A_29 : memref<624x128xf32, #tpu.memory_space<vmem_shared>>) dst(%dma_wait3A_27 : memref<624x128xf32, #tpu.memory_space<hbm>>)
      tpu.yield
    }) : () -> ()
    %eq3A_19 = arith.constant 15 : i32
    %eq3A_20 = arith.cmpi eq, %arg1, %eq3A_19 : i32
    %convert_element_type3A_21 = arith.extui %eq3A_20 : i1 to i32
    %cond3A_22 = arith.constant 0 : i32
    %cond3A_23 = arith.cmpi ne, %convert_element_type3A_21, %cond3A_22 : i32
    scf.if %cond3A_23 {
      %mul3A_24 = arith.constant 10000 : i32
      %mul3A_25 = arith.muli %arg0, %mul3A_24 : i32
      %add3A_26 = arith.constant 9984 : i32
      %add3A_27 = arith.addi %mul3A_25, %add3A_26 : i32
      "tpu.region"() ({
        %run_scoped3A = tpu.sem_alloc : memref<!tpu.dma_semaphore, #tpu.memory_space<semaphore_mem>>
        %dma_start3A = arith.constant 0 : i32
        %dma_start3A_28 = tpu.memref_slice %arg5[%add3A_27, %dma_start3A] : memref<20000x128xf32, #tpu.memory_space<hbm>> -> memref<16x128xf32, #tpu.memory_space<hbm>>
        %dma_start3A_29 = arith.constant 9984 : i32
        %dma_start3A_30 = arith.constant 0 : i32
        %dma_start3A_31 = tpu.memref_slice %arg10[%dma_start3A_29, %dma_start3A_30] : memref<10016x128xf32, #tpu.memory_space<vmem_shared>> -> memref<16x128xf32, #tpu.memory_space<vmem_shared>>
        tpu.enqueue_dma source(%dma_start3A_31 : memref<16x128xf32, #tpu.memory_space<vmem_shared>>) target(%dma_start3A_28 : memref<16x128xf32, #tpu.memory_space<hbm>>) target_semaphore(%run_scoped3A : memref<!tpu.dma_semaphore, #tpu.memory_space<semaphore_mem>>)
        %dma_wait3A = arith.constant 0 : i32
        %dma_wait3A_32 = tpu.memref_slice %arg5[%add3A_27, %dma_wait3A] : memref<20000x128xf32, #tpu.memory_space<hbm>> -> memref<16x128xf32, #tpu.memory_space<hbm>>
        %dma_wait3A_33 = arith.constant 9984 : i32
        %dma_wait3A_34 = arith.constant 0 : i32
        %dma_wait3A_35 = tpu.memref_slice %arg10[%dma_wait3A_33, %dma_wait3A_34] : memref<10016x128xf32, #tpu.memory_space<vmem_shared>> -> memref<16x128xf32, #tpu.memory_space<vmem_shared>>
        tpu.wait_dma2 semaphore(%run_scoped3A : memref<!tpu.dma_semaphore, #tpu.memory_space<semaphore_mem>>) src(%dma_wait3A_35 : memref<16x128xf32, #tpu.memory_space<vmem_shared>>) dst(%dma_wait3A_32 : memref<16x128xf32, #tpu.memory_space<hbm>>)
        tpu.yield
      }) : () -> ()
    } else {
    }
    return
  }
}

#map = affine_map<(d0, d1) -> (0, 0)>
module attributes {stable_mosaic.version = 14 : i64} {
  func.func @_sc_degree_body(%arg0: i32, %arg1: i32, %arg2: memref<2560x128xi32, #tpu.memory_space<hbm>>, %arg3: memref<128x8xf32, #tpu.memory_space<hbm>>, %arg4: memref<20032x8xf32, #tpu.memory_space<hbm>>, %arg5: memref<20000x8xf32, #tpu.memory_space<hbm>>, %arg6: memref<80x128xi32, #tpu.memory_space<vmem>>, %arg7: memref<128x8xf32, #tpu.memory_space<vmem>>, %arg8: memref<10016x8xf32, #tpu.memory_space<vmem_shared>>, %arg9: memref<!tpu.dma_semaphore, #tpu.memory_space<semaphore_mem>>) attributes {dimension_semantics = [#tpu.dimension_semantics<core_parallel>, #tpu.dimension_semantics<subcore_parallel>], iteration_bounds = array<i64: 2, 16>, scalar_prefetch = 0 : i64, scratch_operands = 4 : i64, tpu.core_type = #tpu.core_type<sc_vector_subcore>, window_params = [{transform_indices = #map}, {transform_indices = #map}, {transform_indices = #map}, {transform_indices = #map}]} {
    %mul3A = arith.constant 624 : i32
    %mul3A_0 = arith.muli %arg1, %mul3A : i32
    %mul3A_1 = arith.constant 10016 : i32
    %mul3A_2 = arith.muli %arg0, %mul3A_1 : i32
    %add3A = arith.addi %mul3A_2, %mul3A_0 : i32
    "tpu.region"() ({
      %run_scoped3A = tpu.sem_alloc : memref<!tpu.dma_semaphore, #tpu.memory_space<semaphore_mem>>
      %dma_start3A = arith.constant 0 : i32
      %dma_start3A_30 = tpu.memref_slice %arg8[%mul3A_0, %dma_start3A] : memref<10016x8xf32, #tpu.memory_space<vmem_shared>> -> memref<624x8xf32, #tpu.memory_space<vmem_shared>>
      %dma_start3A_31 = arith.constant 0 : i32
      %dma_start3A_32 = tpu.memref_slice %arg4[%add3A, %dma_start3A_31] : memref<20032x8xf32, #tpu.memory_space<hbm>> -> memref<624x8xf32, #tpu.memory_space<hbm>>
      tpu.enqueue_dma source(%dma_start3A_32 : memref<624x8xf32, #tpu.memory_space<hbm>>) target(%dma_start3A_30 : memref<624x8xf32, #tpu.memory_space<vmem_shared>>) target_semaphore(%run_scoped3A : memref<!tpu.dma_semaphore, #tpu.memory_space<semaphore_mem>>)
      %dma_wait3A = arith.constant 0 : i32
      %dma_wait3A_33 = tpu.memref_slice %arg8[%mul3A_0, %dma_wait3A] : memref<10016x8xf32, #tpu.memory_space<vmem_shared>> -> memref<624x8xf32, #tpu.memory_space<vmem_shared>>
      %dma_wait3A_34 = arith.constant 0 : i32
      %dma_wait3A_35 = tpu.memref_slice %arg4[%add3A, %dma_wait3A_34] : memref<20032x8xf32, #tpu.memory_space<hbm>> -> memref<624x8xf32, #tpu.memory_space<hbm>>
      tpu.wait_dma2 semaphore(%run_scoped3A : memref<!tpu.dma_semaphore, #tpu.memory_space<semaphore_mem>>) src(%dma_wait3A_35 : memref<624x8xf32, #tpu.memory_space<hbm>>) dst(%dma_wait3A_33 : memref<624x8xf32, #tpu.memory_space<vmem_shared>>)
      tpu.yield
    }) : () -> ()
    %eq3A = arith.constant 15 : i32
    %eq3A_3 = arith.cmpi eq, %arg1, %eq3A : i32
    %convert_element_type3A = arith.extui %eq3A_3 : i1 to i32
    %cond3A = arith.constant 0 : i32
    %cond3A_4 = arith.cmpi ne, %convert_element_type3A, %cond3A : i32
    scf.if %cond3A_4 {
      %mul3A_30 = arith.constant 10016 : i32
      %mul3A_31 = arith.muli %arg0, %mul3A_30 : i32
      %add3A_32 = arith.constant 9984 : i32
      %add3A_33 = arith.addi %mul3A_31, %add3A_32 : i32
      "tpu.region"() ({
        %run_scoped3A = tpu.sem_alloc : memref<!tpu.dma_semaphore, #tpu.memory_space<semaphore_mem>>
        %dma_start3A = arith.constant 9984 : i32
        %dma_start3A_34 = arith.constant 0 : i32
        %dma_start3A_35 = tpu.memref_slice %arg8[%dma_start3A, %dma_start3A_34] : memref<10016x8xf32, #tpu.memory_space<vmem_shared>> -> memref<32x8xf32, #tpu.memory_space<vmem_shared>>
        %dma_start3A_36 = arith.constant 0 : i32
        %dma_start3A_37 = tpu.memref_slice %arg4[%add3A_33, %dma_start3A_36] : memref<20032x8xf32, #tpu.memory_space<hbm>> -> memref<32x8xf32, #tpu.memory_space<hbm>>
        tpu.enqueue_dma source(%dma_start3A_37 : memref<32x8xf32, #tpu.memory_space<hbm>>) target(%dma_start3A_35 : memref<32x8xf32, #tpu.memory_space<vmem_shared>>) target_semaphore(%run_scoped3A : memref<!tpu.dma_semaphore, #tpu.memory_space<semaphore_mem>>)
        %dma_wait3A = arith.constant 9984 : i32
        %dma_wait3A_38 = arith.constant 0 : i32
        %dma_wait3A_39 = tpu.memref_slice %arg8[%dma_wait3A, %dma_wait3A_38] : memref<10016x8xf32, #tpu.memory_space<vmem_shared>> -> memref<32x8xf32, #tpu.memory_space<vmem_shared>>
        %dma_wait3A_40 = arith.constant 0 : i32
        %dma_wait3A_41 = tpu.memref_slice %arg4[%add3A_33, %dma_wait3A_40] : memref<20032x8xf32, #tpu.memory_space<hbm>> -> memref<32x8xf32, #tpu.memory_space<hbm>>
        tpu.wait_dma2 semaphore(%run_scoped3A : memref<!tpu.dma_semaphore, #tpu.memory_space<semaphore_mem>>) src(%dma_wait3A_41 : memref<32x8xf32, #tpu.memory_space<hbm>>) dst(%dma_wait3A_39 : memref<32x8xf32, #tpu.memory_space<vmem_shared>>)
        tpu.yield
      }) : () -> ()
    } else {
    }
    "tpu.region"() ({
      %run_scoped3A = tpu.sem_alloc : memref<!tpu.dma_semaphore, #tpu.memory_space<semaphore_mem>>
      tpu.enqueue_dma source(%arg3 : memref<128x8xf32, #tpu.memory_space<hbm>>) target(%arg7 : memref<128x8xf32, #tpu.memory_space<vmem>>) target_semaphore(%run_scoped3A : memref<!tpu.dma_semaphore, #tpu.memory_space<semaphore_mem>>)
      tpu.wait_dma2 semaphore(%run_scoped3A : memref<!tpu.dma_semaphore, #tpu.memory_space<semaphore_mem>>) src(%arg3 : memref<128x8xf32, #tpu.memory_space<hbm>>) dst(%arg7 : memref<128x8xf32, #tpu.memory_space<vmem>>)
      tpu.yield
    }) : () -> ()
    %mul3A_5 = arith.constant 16 : i32
    %mul3A_6 = arith.muli %arg0, %mul3A_5 : i32
    %add3A_7 = arith.addi %mul3A_6, %arg1 : i32
    %mul3A_8 = arith.constant 80 : i32
    %mul3A_9 = arith.muli %add3A_7, %mul3A_8 : i32
    "tpu.region"() ({
      %run_scoped3A = tpu.sem_alloc : memref<!tpu.dma_semaphore, #tpu.memory_space<semaphore_mem>>
      %dma_start3A = arith.constant 0 : i32
      %dma_start3A_30 = tpu.memref_slice %arg2[%mul3A_9, %dma_start3A] : memref<2560x128xi32, #tpu.memory_space<hbm>> -> memref<80x128xi32, #tpu.memory_space<hbm>>
      %dma_start3A_31 = arith.constant 0 : i32
      %dma_start3A_32 = tpu.memref_slice %arg2[%mul3A_9, %dma_start3A_31] : memref<2560x128xi32, #tpu.memory_space<hbm>> -> memref<80x128xi32, #tpu.memory_space<hbm>>
      tpu.enqueue_dma source(%dma_start3A_32 : memref<80x128xi32, #tpu.memory_space<hbm>>) target(%arg6 : memref<80x128xi32, #tpu.memory_space<vmem>>) target_semaphore(%run_scoped3A : memref<!tpu.dma_semaphore, #tpu.memory_space<semaphore_mem>>)
      %dma_wait3A = arith.constant 0 : i32
      %dma_wait3A_33 = tpu.memref_slice %arg2[%mul3A_9, %dma_wait3A] : memref<2560x128xi32, #tpu.memory_space<hbm>> -> memref<80x128xi32, #tpu.memory_space<hbm>>
      %dma_wait3A_34 = arith.constant 0 : i32
      %dma_wait3A_35 = tpu.memref_slice %arg2[%mul3A_9, %dma_wait3A_34] : memref<2560x128xi32, #tpu.memory_space<hbm>> -> memref<80x128xi32, #tpu.memory_space<hbm>>
      tpu.wait_dma2 semaphore(%run_scoped3A : memref<!tpu.dma_semaphore, #tpu.memory_space<semaphore_mem>>) src(%dma_wait3A_35 : memref<80x128xi32, #tpu.memory_space<hbm>>) dst(%arg6 : memref<80x128xi32, #tpu.memory_space<vmem>>)
      tpu.yield
    }) : () -> ()
    %barrier3A = arith.constant 0 : index
    tpu.barrier barrier_id(%barrier3A)
    %scan3A = arith.constant 0 : i32
    %scan3A_10 = arith.constant 0 : i32
    %scan3A_11 = arith.constant 80 : i32
    %scan3A_12 = arith.addi %scan3A_10, %scan3A_11 : i32
    %scan3A_13 = arith.constant 1 : i32
    scf.for %scan3A_30 = %scan3A_10 to %scan3A_12 step %scan3A_13  : i32 {
      %dma_start3A = arith.constant 0 : i32
      %dma_start3A_31 = tpu.memref_slice %arg6[%scan3A_30, %dma_start3A] : memref<80x128xi32, #tpu.memory_space<vmem>> -> memref<1x128xi32, #tpu.memory_space<vmem>>
      %dma_start3A_32 = tpu.memref_squeeze %dma_start3A_31 : memref<1x128xi32, #tpu.memory_space<vmem>> -> memref<128xi32, #tpu.memory_space<vmem>>
      %dma_start3A_33 = arith.constant 0 : i32
      %dma_start3A_34 = arith.constant 0 : i32
      %dma_start3A_35 = tpu.memref_slice %arg8[%dma_start3A_33, %dma_start3A_34] : memref<10016x8xf32, #tpu.memory_space<vmem_shared>> -> memref<10016x8xf32, #tpu.memory_space<vmem_shared>>
      tpu.enqueue_indirect_dma source(%arg7 : memref<128x8xf32, #tpu.memory_space<vmem>>) target(%dma_start3A_35 : memref<10016x8xf32, #tpu.memory_space<vmem_shared>>) offsets(%dma_start3A_32 : memref<128xi32, #tpu.memory_space<vmem>>) semaphore(%arg9 : memref<!tpu.dma_semaphore, #tpu.memory_space<semaphore_mem>>) {add = true}
    }
    %scan3A_14 = arith.constant 80 : i32
    %scan3A_15 = arith.constant 0 : i32
    %scan3A_16 = arith.constant 0 : i32
    %scan3A_17 = arith.constant 80 : i32
    %scan3A_18 = arith.addi %scan3A_16, %scan3A_17 : i32
    %scan3A_19 = arith.constant 1 : i32
    scf.for %scan3A_30 = %scan3A_16 to %scan3A_18 step %scan3A_19  : i32 {
      %dma_wait3A = arith.constant 0 : i32
      %dma_wait3A_31 = tpu.memref_slice %arg6[%scan3A_30, %dma_wait3A] : memref<80x128xi32, #tpu.memory_space<vmem>> -> memref<1x128xi32, #tpu.memory_space<vmem>>
      %dma_wait3A_32 = tpu.memref_squeeze %dma_wait3A_31 : memref<1x128xi32, #tpu.memory_space<vmem>> -> memref<128xi32, #tpu.memory_space<vmem>>
      %dma_wait3A_33 = arith.constant 0 : i32
      %dma_wait3A_34 = arith.constant 0 : i32
      %dma_wait3A_35 = tpu.memref_slice %arg8[%dma_wait3A_33, %dma_wait3A_34] : memref<10016x8xf32, #tpu.memory_space<vmem_shared>> -> memref<10016x8xf32, #tpu.memory_space<vmem_shared>>
      tpu.wait_indirect_dma semaphore(%arg9 : memref<!tpu.dma_semaphore, #tpu.memory_space<semaphore_mem>>) src(%arg7 : memref<128x8xf32, #tpu.memory_space<vmem>>) dst(%dma_wait3A_35 : memref<10016x8xf32, #tpu.memory_space<vmem_shared>>)
    }
    %scan3A_20 = arith.constant 80 : i32
    %barrier3A_21 = arith.constant 0 : index
    tpu.barrier barrier_id(%barrier3A_21)
    %mul3A_22 = arith.constant 10000 : i32
    %mul3A_23 = arith.muli %arg0, %mul3A_22 : i32
    %add3A_24 = arith.addi %mul3A_23, %mul3A_0 : i32
    "tpu.region"() ({
      %run_scoped3A = tpu.sem_alloc : memref<!tpu.dma_semaphore, #tpu.memory_space<semaphore_mem>>
      %dma_start3A = arith.constant 0 : i32
      %dma_start3A_30 = tpu.memref_slice %arg5[%add3A_24, %dma_start3A] : memref<20000x8xf32, #tpu.memory_space<hbm>> -> memref<624x8xf32, #tpu.memory_space<hbm>>
      %dma_start3A_31 = arith.constant 0 : i32
      %dma_start3A_32 = tpu.memref_slice %arg8[%mul3A_0, %dma_start3A_31] : memref<10016x8xf32, #tpu.memory_space<vmem_shared>> -> memref<624x8xf32, #tpu.memory_space<vmem_shared>>
      tpu.enqueue_dma source(%dma_start3A_32 : memref<624x8xf32, #tpu.memory_space<vmem_shared>>) target(%dma_start3A_30 : memref<624x8xf32, #tpu.memory_space<hbm>>) target_semaphore(%run_scoped3A : memref<!tpu.dma_semaphore, #tpu.memory_space<semaphore_mem>>)
      %dma_wait3A = arith.constant 0 : i32
      %dma_wait3A_33 = tpu.memref_slice %arg5[%add3A_24, %dma_wait3A] : memref<20000x8xf32, #tpu.memory_space<hbm>> -> memref<624x8xf32, #tpu.memory_space<hbm>>
      %dma_wait3A_34 = arith.constant 0 : i32
      %dma_wait3A_35 = tpu.memref_slice %arg8[%mul3A_0, %dma_wait3A_34] : memref<10016x8xf32, #tpu.memory_space<vmem_shared>> -> memref<624x8xf32, #tpu.memory_space<vmem_shared>>
      tpu.wait_dma2 semaphore(%run_scoped3A : memref<!tpu.dma_semaphore, #tpu.memory_space<semaphore_mem>>) src(%dma_wait3A_35 : memref<624x8xf32, #tpu.memory_space<vmem_shared>>) dst(%dma_wait3A_33 : memref<624x8xf32, #tpu.memory_space<hbm>>)
      tpu.yield
    }) : () -> ()
    %eq3A_25 = arith.constant 15 : i32
    %eq3A_26 = arith.cmpi eq, %arg1, %eq3A_25 : i32
    %convert_element_type3A_27 = arith.extui %eq3A_26 : i1 to i32
    %cond3A_28 = arith.constant 0 : i32
    %cond3A_29 = arith.cmpi ne, %convert_element_type3A_27, %cond3A_28 : i32
    scf.if %cond3A_29 {
      %mul3A_30 = arith.constant 10000 : i32
      %mul3A_31 = arith.muli %arg0, %mul3A_30 : i32
      %add3A_32 = arith.constant 9984 : i32
      %add3A_33 = arith.addi %mul3A_31, %add3A_32 : i32
      "tpu.region"() ({
        %run_scoped3A = tpu.sem_alloc : memref<!tpu.dma_semaphore, #tpu.memory_space<semaphore_mem>>
        %dma_start3A = arith.constant 0 : i32
        %dma_start3A_34 = tpu.memref_slice %arg5[%add3A_33, %dma_start3A] : memref<20000x8xf32, #tpu.memory_space<hbm>> -> memref<16x8xf32, #tpu.memory_space<hbm>>
        %dma_start3A_35 = arith.constant 9984 : i32
        %dma_start3A_36 = arith.constant 0 : i32
        %dma_start3A_37 = tpu.memref_slice %arg8[%dma_start3A_35, %dma_start3A_36] : memref<10016x8xf32, #tpu.memory_space<vmem_shared>> -> memref<16x8xf32, #tpu.memory_space<vmem_shared>>
        tpu.enqueue_dma source(%dma_start3A_37 : memref<16x8xf32, #tpu.memory_space<vmem_shared>>) target(%dma_start3A_34 : memref<16x8xf32, #tpu.memory_space<hbm>>) target_semaphore(%run_scoped3A : memref<!tpu.dma_semaphore, #tpu.memory_space<semaphore_mem>>)
        %dma_wait3A = arith.constant 0 : i32
        %dma_wait3A_38 = tpu.memref_slice %arg5[%add3A_33, %dma_wait3A] : memref<20000x8xf32, #tpu.memory_space<hbm>> -> memref<16x8xf32, #tpu.memory_space<hbm>>
        %dma_wait3A_39 = arith.constant 9984 : i32
        %dma_wait3A_40 = arith.constant 0 : i32
        %dma_wait3A_41 = tpu.memref_slice %arg8[%dma_wait3A_39, %dma_wait3A_40] : memref<10016x8xf32, #tpu.memory_space<vmem_shared>> -> memref<16x8xf32, #tpu.memory_space<vmem_shared>>
        tpu.wait_dma2 semaphore(%run_scoped3A : memref<!tpu.dma_semaphore, #tpu.memory_space<semaphore_mem>>) src(%dma_wait3A_41 : memref<16x8xf32, #tpu.memory_space<vmem_shared>>) dst(%dma_wait3A_38 : memref<16x8xf32, #tpu.memory_space<hbm>>)
        tpu.yield
      }) : () -> ()
    } else {
    }
    return
  }
}

#map = affine_map<(d0, d1) -> (0, 0)>
module attributes {stable_mosaic.version = 14 : i64} {
  func.func @_sc_scatter_body(%arg0: i32, %arg1: i32, %arg2: memref<20000x128xf32, #tpu.memory_space<hbm>>, %arg3: memref<5120x128xi32, #tpu.memory_space<hbm>>, %arg4: memref<2560x128xi32, #tpu.memory_space<hbm>>, %arg5: memref<20000x128xf32, #tpu.memory_space<hbm>>, %arg6: memref<40x128xi32, #tpu.memory_space<vmem>>, %arg7: memref<40x128xi32, #tpu.memory_space<vmem>>, %arg8: memref<128x128xf32, #tpu.memory_space<vmem>>, %arg9: memref<128x128xf32, #tpu.memory_space<vmem>>, %arg10: memref<10016x128xf32, #tpu.memory_space<vmem_shared>>, %arg11: memref<!tpu.dma_semaphore, #tpu.memory_space<semaphore_mem>>, %arg12: memref<!tpu.dma_semaphore, #tpu.memory_space<semaphore_mem>>) attributes {dimension_semantics = [#tpu.dimension_semantics<core_parallel>, #tpu.dimension_semantics<subcore_parallel>], iteration_bounds = array<i64: 2, 16>, scalar_prefetch = 0 : i64, scratch_operands = 7 : i64, tpu.core_type = #tpu.core_type<sc_vector_subcore>, window_params = [{transform_indices = #map}, {transform_indices = #map}, {transform_indices = #map}, {transform_indices = #map}]} {
    %mul3A = arith.constant 624 : i32
    %mul3A_0 = arith.muli %arg1, %mul3A : i32
    %mul3A_1 = arith.constant 10000 : i32
    %mul3A_2 = arith.muli %arg0, %mul3A_1 : i32
    %add3A = arith.addi %mul3A_2, %mul3A_0 : i32
    "tpu.region"() ({
      %run_scoped3A = tpu.sem_alloc : memref<!tpu.dma_semaphore, #tpu.memory_space<semaphore_mem>>
      %dma_start3A = arith.constant 0 : i32
      %dma_start3A_21 = tpu.memref_slice %arg10[%mul3A_0, %dma_start3A] : memref<10016x128xf32, #tpu.memory_space<vmem_shared>> -> memref<624x128xf32, #tpu.memory_space<vmem_shared>>
      %dma_start3A_22 = arith.constant 0 : i32
      %dma_start3A_23 = tpu.memref_slice %arg2[%add3A, %dma_start3A_22] : memref<20000x128xf32, #tpu.memory_space<hbm>> -> memref<624x128xf32, #tpu.memory_space<hbm>>
      tpu.enqueue_dma source(%dma_start3A_23 : memref<624x128xf32, #tpu.memory_space<hbm>>) target(%dma_start3A_21 : memref<624x128xf32, #tpu.memory_space<vmem_shared>>) target_semaphore(%run_scoped3A : memref<!tpu.dma_semaphore, #tpu.memory_space<semaphore_mem>>)
      %dma_wait3A = arith.constant 0 : i32
      %dma_wait3A_24 = tpu.memref_slice %arg10[%mul3A_0, %dma_wait3A] : memref<10016x128xf32, #tpu.memory_space<vmem_shared>> -> memref<624x128xf32, #tpu.memory_space<vmem_shared>>
      %dma_wait3A_25 = arith.constant 0 : i32
      %dma_wait3A_26 = tpu.memref_slice %arg2[%add3A, %dma_wait3A_25] : memref<20000x128xf32, #tpu.memory_space<hbm>> -> memref<624x128xf32, #tpu.memory_space<hbm>>
      tpu.wait_dma2 semaphore(%run_scoped3A : memref<!tpu.dma_semaphore, #tpu.memory_space<semaphore_mem>>) src(%dma_wait3A_26 : memref<624x128xf32, #tpu.memory_space<hbm>>) dst(%dma_wait3A_24 : memref<624x128xf32, #tpu.memory_space<vmem_shared>>)
      tpu.yield
    }) : () -> ()
    %eq3A = arith.constant 15 : i32
    %eq3A_3 = arith.cmpi eq, %arg1, %eq3A : i32
    %convert_element_type3A = arith.extui %eq3A_3 : i1 to i32
    %cond3A = arith.constant 0 : i32
    %cond3A_4 = arith.cmpi ne, %convert_element_type3A, %cond3A : i32
    scf.if %cond3A_4 {
      %mul3A_21 = arith.constant 10000 : i32
      %mul3A_22 = arith.muli %arg0, %mul3A_21 : i32
      %add3A_23 = arith.constant 9984 : i32
      %add3A_24 = arith.addi %mul3A_22, %add3A_23 : i32
      "tpu.region"() ({
        %run_scoped3A = tpu.sem_alloc : memref<!tpu.dma_semaphore, #tpu.memory_space<semaphore_mem>>
        %dma_start3A = arith.constant 9984 : i32
        %dma_start3A_25 = arith.constant 0 : i32
        %dma_start3A_26 = tpu.memref_slice %arg10[%dma_start3A, %dma_start3A_25] : memref<10016x128xf32, #tpu.memory_space<vmem_shared>> -> memref<16x128xf32, #tpu.memory_space<vmem_shared>>
        %dma_start3A_27 = arith.constant 0 : i32
        %dma_start3A_28 = tpu.memref_slice %arg2[%add3A_24, %dma_start3A_27] : memref<20000x128xf32, #tpu.memory_space<hbm>> -> memref<16x128xf32, #tpu.memory_space<hbm>>
        tpu.enqueue_dma source(%dma_start3A_28 : memref<16x128xf32, #tpu.memory_space<hbm>>) target(%dma_start3A_26 : memref<16x128xf32, #tpu.memory_space<vmem_shared>>) target_semaphore(%run_scoped3A : memref<!tpu.dma_semaphore, #tpu.memory_space<semaphore_mem>>)
        %dma_wait3A = arith.constant 9984 : i32
        %dma_wait3A_29 = arith.constant 0 : i32
        %dma_wait3A_30 = tpu.memref_slice %arg10[%dma_wait3A, %dma_wait3A_29] : memref<10016x128xf32, #tpu.memory_space<vmem_shared>> -> memref<16x128xf32, #tpu.memory_space<vmem_shared>>
        %dma_wait3A_31 = arith.constant 0 : i32
        %dma_wait3A_32 = tpu.memref_slice %arg2[%add3A_24, %dma_wait3A_31] : memref<20000x128xf32, #tpu.memory_space<hbm>> -> memref<16x128xf32, #tpu.memory_space<hbm>>
        tpu.wait_dma2 semaphore(%run_scoped3A : memref<!tpu.dma_semaphore, #tpu.memory_space<semaphore_mem>>) src(%dma_wait3A_32 : memref<16x128xf32, #tpu.memory_space<hbm>>) dst(%dma_wait3A_30 : memref<16x128xf32, #tpu.memory_space<vmem_shared>>)
        tpu.yield
      }) : () -> ()
    } else {
    }
    %mul3A_5 = arith.constant 160 : i32
    %mul3A_6 = arith.muli %arg1, %mul3A_5 : i32
    %barrier3A = arith.constant 0 : index
    tpu.barrier barrier_id(%barrier3A)
    %scan3A = arith.constant 0 : i32
    %scan3A_7 = arith.constant 0 : i32
    %scan3A_8 = arith.constant 4 : i32
    %scan3A_9 = arith.addi %scan3A_7, %scan3A_8 : i32
    %scan3A_10 = arith.constant 1 : i32
    scf.for %scan3A_21 = %scan3A_7 to %scan3A_9 step %scan3A_10  : i32 {
      %mul3A_22 = arith.constant 40 : i32
      %mul3A_23 = arith.muli %scan3A_21, %mul3A_22 : i32
      %add3A_24 = arith.addi %mul3A_6, %mul3A_23 : i32
      %mul3A_25 = arith.constant 2560 : i32
      %mul3A_26 = arith.muli %arg0, %mul3A_25 : i32
      %add3A_27 = arith.addi %mul3A_26, %add3A_24 : i32
      "tpu.region"() ({
        %run_scoped3A_91 = tpu.sem_alloc : memref<!tpu.dma_semaphore, #tpu.memory_space<semaphore_mem>>
        %dma_start3A_92 = arith.constant 0 : i32
        %dma_start3A_93 = tpu.memref_slice %arg3[%add3A_27, %dma_start3A_92] : memref<5120x128xi32, #tpu.memory_space<hbm>> -> memref<40x128xi32, #tpu.memory_space<hbm>>
        %dma_start3A_94 = arith.constant 0 : i32
        %dma_start3A_95 = tpu.memref_slice %arg3[%add3A_27, %dma_start3A_94] : memref<5120x128xi32, #tpu.memory_space<hbm>> -> memref<40x128xi32, #tpu.memory_space<hbm>>
        tpu.enqueue_dma source(%dma_start3A_95 : memref<40x128xi32, #tpu.memory_space<hbm>>) target(%arg6 : memref<40x128xi32, #tpu.memory_space<vmem>>) target_semaphore(%run_scoped3A_91 : memref<!tpu.dma_semaphore, #tpu.memory_space<semaphore_mem>>)
        %dma_wait3A_96 = arith.constant 0 : i32
        %dma_wait3A_97 = tpu.memref_slice %arg3[%add3A_27, %dma_wait3A_96] : memref<5120x128xi32, #tpu.memory_space<hbm>> -> memref<40x128xi32, #tpu.memory_space<hbm>>
        %dma_wait3A_98 = arith.constant 0 : i32
        %dma_wait3A_99 = tpu.memref_slice %arg3[%add3A_27, %dma_wait3A_98] : memref<5120x128xi32, #tpu.memory_space<hbm>> -> memref<40x128xi32, #tpu.memory_space<hbm>>
        tpu.wait_dma2 semaphore(%run_scoped3A_91 : memref<!tpu.dma_semaphore, #tpu.memory_space<semaphore_mem>>) src(%dma_wait3A_99 : memref<40x128xi32, #tpu.memory_space<hbm>>) dst(%arg6 : memref<40x128xi32, #tpu.memory_space<vmem>>)
        tpu.yield
      }) : () -> ()
      "tpu.region"() ({
        %run_scoped3A_91 = tpu.sem_alloc : memref<!tpu.dma_semaphore, #tpu.memory_space<semaphore_mem>>
        %dma_start3A_92 = arith.constant 0 : i32
        %dma_start3A_93 = tpu.memref_slice %arg4[%add3A_24, %dma_start3A_92] : memref<2560x128xi32, #tpu.memory_space<hbm>> -> memref<40x128xi32, #tpu.memory_space<hbm>>
        %dma_start3A_94 = arith.constant 0 : i32
        %dma_start3A_95 = tpu.memref_slice %arg4[%add3A_24, %dma_start3A_94] : memref<2560x128xi32, #tpu.memory_space<hbm>> -> memref<40x128xi32, #tpu.memory_space<hbm>>
        tpu.enqueue_dma source(%dma_start3A_95 : memref<40x128xi32, #tpu.memory_space<hbm>>) target(%arg7 : memref<40x128xi32, #tpu.memory_space<vmem>>) target_semaphore(%run_scoped3A_91 : memref<!tpu.dma_semaphore, #tpu.memory_space<semaphore_mem>>)
        %dma_wait3A_96 = arith.constant 0 : i32
        %dma_wait3A_97 = tpu.memref_slice %arg4[%add3A_24, %dma_wait3A_96] : memref<2560x128xi32, #tpu.memory_space<hbm>> -> memref<40x128xi32, #tpu.memory_space<hbm>>
        %dma_wait3A_98 = arith.constant 0 : i32
        %dma_wait3A_99 = tpu.memref_slice %arg4[%add3A_24, %dma_wait3A_98] : memref<2560x128xi32, #tpu.memory_space<hbm>> -> memref<40x128xi32, #tpu.memory_space<hbm>>
        tpu.wait_dma2 semaphore(%run_scoped3A_91 : memref<!tpu.dma_semaphore, #tpu.memory_space<semaphore_mem>>) src(%dma_wait3A_99 : memref<40x128xi32, #tpu.memory_space<hbm>>) dst(%arg7 : memref<40x128xi32, #tpu.memory_space<vmem>>)
        tpu.yield
      }) : () -> ()
      %dma_start3A = arith.constant 0 : i32
      %dma_start3A_28 = arith.constant 0 : i32
      %dma_start3A_29 = tpu.memref_slice %arg6[%dma_start3A, %dma_start3A_28] : memref<40x128xi32, #tpu.memory_space<vmem>> -> memref<1x128xi32, #tpu.memory_space<vmem>>
      %dma_start3A_30 = tpu.memref_squeeze %dma_start3A_29 : memref<1x128xi32, #tpu.memory_space<vmem>> -> memref<128xi32, #tpu.memory_space<vmem>>
      %dma_start3A_31 = arith.constant 0 : i32
      %dma_start3A_32 = arith.constant 0 : i32
      %dma_start3A_33 = tpu.memref_slice %arg2[%dma_start3A_31, %dma_start3A_32] : memref<20000x128xf32, #tpu.memory_space<hbm>> -> memref<20000x128xf32, #tpu.memory_space<hbm>>
      tpu.enqueue_indirect_dma source(%dma_start3A_33 : memref<20000x128xf32, #tpu.memory_space<hbm>>) target(%arg8 : memref<128x128xf32, #tpu.memory_space<vmem>>) offsets(%dma_start3A_30 : memref<128xi32, #tpu.memory_space<vmem>>) semaphore(%arg11 : memref<!tpu.dma_semaphore, #tpu.memory_space<semaphore_mem>>)
      %dma_start3A_34 = arith.constant 1 : i32
      %dma_start3A_35 = arith.constant 0 : i32
      %dma_start3A_36 = tpu.memref_slice %arg6[%dma_start3A_34, %dma_start3A_35] : memref<40x128xi32, #tpu.memory_space<vmem>> -> memref<1x128xi32, #tpu.memory_space<vmem>>
      %dma_start3A_37 = tpu.memref_squeeze %dma_start3A_36 : memref<1x128xi32, #tpu.memory_space<vmem>> -> memref<128xi32, #tpu.memory_space<vmem>>
      %dma_start3A_38 = arith.constant 0 : i32
      %dma_start3A_39 = arith.constant 0 : i32
      %dma_start3A_40 = tpu.memref_slice %arg2[%dma_start3A_38, %dma_start3A_39] : memref<20000x128xf32, #tpu.memory_space<hbm>> -> memref<20000x128xf32, #tpu.memory_space<hbm>>
      tpu.enqueue_indirect_dma source(%dma_start3A_40 : memref<20000x128xf32, #tpu.memory_space<hbm>>) target(%arg9 : memref<128x128xf32, #tpu.memory_space<vmem>>) offsets(%dma_start3A_37 : memref<128xi32, #tpu.memory_space<vmem>>) semaphore(%arg12 : memref<!tpu.dma_semaphore, #tpu.memory_space<semaphore_mem>>)
      %scan3A_41 = arith.constant 0 : i32
      %scan3A_42 = arith.constant 0 : i32
      %scan3A_43 = arith.constant 9 : i32
      %scan3A_44 = arith.addi %scan3A_42, %scan3A_43 : i32
      %scan3A_45 = arith.constant 1 : i32
      scf.for %scan3A_91 = %scan3A_42 to %scan3A_44 step %scan3A_45  : i32 {
        %mul3A_92 = arith.constant 4 : i32
        %mul3A_93 = arith.muli %mul3A_92, %scan3A_91 : i32
        %dma_wait3A_94 = arith.constant 0 : i32
        %dma_wait3A_95 = tpu.memref_slice %arg6[%mul3A_93, %dma_wait3A_94] : memref<40x128xi32, #tpu.memory_space<vmem>> -> memref<1x128xi32, #tpu.memory_space<vmem>>
        %dma_wait3A_96 = tpu.memref_squeeze %dma_wait3A_95 : memref<1x128xi32, #tpu.memory_space<vmem>> -> memref<128xi32, #tpu.memory_space<vmem>>
        %dma_wait3A_97 = arith.constant 0 : i32
        %dma_wait3A_98 = arith.constant 0 : i32
        %dma_wait3A_99 = tpu.memref_slice %arg2[%dma_wait3A_97, %dma_wait3A_98] : memref<20000x128xf32, #tpu.memory_space<hbm>> -> memref<20000x128xf32, #tpu.memory_space<hbm>>
        tpu.wait_indirect_dma semaphore(%arg11 : memref<!tpu.dma_semaphore, #tpu.memory_space<semaphore_mem>>) src(%dma_wait3A_99 : memref<20000x128xf32, #tpu.memory_space<hbm>>) dst(%arg8 : memref<128x128xf32, #tpu.memory_space<vmem>>)
        "tpu.region"() ({
          %run_scoped3A_156 = tpu.sem_alloc : memref<!tpu.dma_semaphore, #tpu.memory_space<semaphore_mem>>
          %dma_start3A_157 = arith.constant 0 : i32
          %dma_start3A_158 = tpu.memref_slice %arg7[%mul3A_93, %dma_start3A_157] : memref<40x128xi32, #tpu.memory_space<vmem>> -> memref<1x128xi32, #tpu.memory_space<vmem>>
          %dma_start3A_159 = tpu.memref_squeeze %dma_start3A_158 : memref<1x128xi32, #tpu.memory_space<vmem>> -> memref<128xi32, #tpu.memory_space<vmem>>
          %dma_start3A_160 = arith.constant 0 : i32
          %dma_start3A_161 = arith.constant 0 : i32
          %dma_start3A_162 = tpu.memref_slice %arg10[%dma_start3A_160, %dma_start3A_161] : memref<10016x128xf32, #tpu.memory_space<vmem_shared>> -> memref<10016x128xf32, #tpu.memory_space<vmem_shared>>
          tpu.enqueue_indirect_dma source(%arg8 : memref<128x128xf32, #tpu.memory_space<vmem>>) target(%dma_start3A_162 : memref<10016x128xf32, #tpu.memory_space<vmem_shared>>) offsets(%dma_start3A_159 : memref<128xi32, #tpu.memory_space<vmem>>) semaphore(%run_scoped3A_156 : memref<!tpu.dma_semaphore, #tpu.memory_space<semaphore_mem>>) {add = true}
          %dma_wait3A_163 = arith.constant 0 : i32
          %dma_wait3A_164 = tpu.memref_slice %arg7[%mul3A_93, %dma_wait3A_163] : memref<40x128xi32, #tpu.memory_space<vmem>> -> memref<1x128xi32, #tpu.memory_space<vmem>>
          %dma_wait3A_165 = tpu.memref_squeeze %dma_wait3A_164 : memref<1x128xi32, #tpu.memory_space<vmem>> -> memref<128xi32, #tpu.memory_space<vmem>>
          %dma_wait3A_166 = arith.constant 0 : i32
          %dma_wait3A_167 = arith.constant 0 : i32
          %dma_wait3A_168 = tpu.memref_slice %arg10[%dma_wait3A_166, %dma_wait3A_167] : memref<10016x128xf32, #tpu.memory_space<vmem_shared>> -> memref<10016x128xf32, #tpu.memory_space<vmem_shared>>
          tpu.wait_indirect_dma semaphore(%run_scoped3A_156 : memref<!tpu.dma_semaphore, #tpu.memory_space<semaphore_mem>>) src(%arg8 : memref<128x128xf32, #tpu.memory_space<vmem>>) dst(%dma_wait3A_168 : memref<10016x128xf32, #tpu.memory_space<vmem_shared>>)
          tpu.yield
        }) : () -> ()
        %add3A_100 = arith.constant 2 : i32
        %add3A_101 = arith.addi %mul3A_93, %add3A_100 : i32
        %dma_start3A_102 = arith.constant 0 : i32
        %dma_start3A_103 = tpu.memref_slice %arg6[%add3A_101, %dma_start3A_102] : memref<40x128xi32, #tpu.memory_space<vmem>> -> memref<1x128xi32, #tpu.memory_space<vmem>>
        %dma_start3A_104 = tpu.memref_squeeze %dma_start3A_103 : memref<1x128xi32, #tpu.memory_space<vmem>> -> memref<128xi32, #tpu.memory_space<vmem>>
        %dma_start3A_105 = arith.constant 0 : i32
        %dma_start3A_106 = arith.constant 0 : i32
        %dma_start3A_107 = tpu.memref_slice %arg2[%dma_start3A_105, %dma_start3A_106] : memref<20000x128xf32, #tpu.memory_space<hbm>> -> memref<20000x128xf32, #tpu.memory_space<hbm>>
        tpu.enqueue_indirect_dma source(%dma_start3A_107 : memref<20000x128xf32, #tpu.memory_space<hbm>>) target(%arg8 : memref<128x128xf32, #tpu.memory_space<vmem>>) offsets(%dma_start3A_104 : memref<128xi32, #tpu.memory_space<vmem>>) semaphore(%arg11 : memref<!tpu.dma_semaphore, #tpu.memory_space<semaphore_mem>>)
        %add3A_108 = arith.constant 1 : i32
        %add3A_109 = arith.addi %mul3A_93, %add3A_108 : i32
        %dma_wait3A_110 = arith.constant 0 : i32
        %dma_wait3A_111 = tpu.memref_slice %arg6[%add3A_109, %dma_wait3A_110] : memref<40x128xi32, #tpu.memory_space<vmem>> -> memref<1x128xi32, #tpu.memory_space<vmem>>
        %dma_wait3A_112 = tpu.memref_squeeze %dma_wait3A_111 : memref<1x128xi32, #tpu.memory_space<vmem>> -> memref<128xi32, #tpu.memory_space<vmem>>
        %dma_wait3A_113 = arith.constant 0 : i32
        %dma_wait3A_114 = arith.constant 0 : i32
        %dma_wait3A_115 = tpu.memref_slice %arg2[%dma_wait3A_113, %dma_wait3A_114] : memref<20000x128xf32, #tpu.memory_space<hbm>> -> memref<20000x128xf32, #tpu.memory_space<hbm>>
        tpu.wait_indirect_dma semaphore(%arg12 : memref<!tpu.dma_semaphore, #tpu.memory_space<semaphore_mem>>) src(%dma_wait3A_115 : memref<20000x128xf32, #tpu.memory_space<hbm>>) dst(%arg9 : memref<128x128xf32, #tpu.memory_space<vmem>>)
        "tpu.region"() ({
          %run_scoped3A_156 = tpu.sem_alloc : memref<!tpu.dma_semaphore, #tpu.memory_space<semaphore_mem>>
          %dma_start3A_157 = arith.constant 0 : i32
          %dma_start3A_158 = tpu.memref_slice %arg7[%add3A_109, %dma_start3A_157] : memref<40x128xi32, #tpu.memory_space<vmem>> -> memref<1x128xi32, #tpu.memory_space<vmem>>
          %dma_start3A_159 = tpu.memref_squeeze %dma_start3A_158 : memref<1x128xi32, #tpu.memory_space<vmem>> -> memref<128xi32, #tpu.memory_space<vmem>>
          %dma_start3A_160 = arith.constant 0 : i32
          %dma_start3A_161 = arith.constant 0 : i32
          %dma_start3A_162 = tpu.memref_slice %arg10[%dma_start3A_160, %dma_start3A_161] : memref<10016x128xf32, #tpu.memory_space<vmem_shared>> -> memref<10016x128xf32, #tpu.memory_space<vmem_shared>>
          tpu.enqueue_indirect_dma source(%arg9 : memref<128x128xf32, #tpu.memory_space<vmem>>) target(%dma_start3A_162 : memref<10016x128xf32, #tpu.memory_space<vmem_shared>>) offsets(%dma_start3A_159 : memref<128xi32, #tpu.memory_space<vmem>>) semaphore(%run_scoped3A_156 : memref<!tpu.dma_semaphore, #tpu.memory_space<semaphore_mem>>) {add = true}
          %dma_wait3A_163 = arith.constant 0 : i32
          %dma_wait3A_164 = tpu.memref_slice %arg7[%add3A_109, %dma_wait3A_163] : memref<40x128xi32, #tpu.memory_space<vmem>> -> memref<1x128xi32, #tpu.memory_space<vmem>>
          %dma_wait3A_165 = tpu.memref_squeeze %dma_wait3A_164 : memref<1x128xi32, #tpu.memory_space<vmem>> -> memref<128xi32, #tpu.memory_space<vmem>>
          %dma_wait3A_166 = arith.constant 0 : i32
          %dma_wait3A_167 = arith.constant 0 : i32
          %dma_wait3A_168 = tpu.memref_slice %arg10[%dma_wait3A_166, %dma_wait3A_167] : memref<10016x128xf32, #tpu.memory_space<vmem_shared>> -> memref<10016x128xf32, #tpu.memory_space<vmem_shared>>
          tpu.wait_indirect_dma semaphore(%run_scoped3A_156 : memref<!tpu.dma_semaphore, #tpu.memory_space<semaphore_mem>>) src(%arg9 : memref<128x128xf32, #tpu.memory_space<vmem>>) dst(%dma_wait3A_168 : memref<10016x128xf32, #tpu.memory_space<vmem_shared>>)
          tpu.yield
        }) : () -> ()
        %add3A_116 = arith.constant 2 : i32
        %add3A_117 = arith.addi %add3A_109, %add3A_116 : i32
        %dma_start3A_118 = arith.constant 0 : i32
        %dma_start3A_119 = tpu.memref_slice %arg6[%add3A_117, %dma_start3A_118] : memref<40x128xi32, #tpu.memory_space<vmem>> -> memref<1x128xi32, #tpu.memory_space<vmem>>
        %dma_start3A_120 = tpu.memref_squeeze %dma_start3A_119 : memref<1x128xi32, #tpu.memory_space<vmem>> -> memref<128xi32, #tpu.memory_space<vmem>>
        %dma_start3A_121 = arith.constant 0 : i32
        %dma_start3A_122 = arith.constant 0 : i32
        %dma_start3A_123 = tpu.memref_slice %arg2[%dma_start3A_121, %dma_start3A_122] : memref<20000x128xf32, #tpu.memory_space<hbm>> -> memref<20000x128xf32, #tpu.memory_space<hbm>>
        tpu.enqueue_indirect_dma source(%dma_start3A_123 : memref<20000x128xf32, #tpu.memory_space<hbm>>) target(%arg9 : memref<128x128xf32, #tpu.memory_space<vmem>>) offsets(%dma_start3A_120 : memref<128xi32, #tpu.memory_space<vmem>>) semaphore(%arg12 : memref<!tpu.dma_semaphore, #tpu.memory_space<semaphore_mem>>)
        %add3A_124 = arith.constant 2 : i32
        %add3A_125 = arith.addi %mul3A_93, %add3A_124 : i32
        %dma_wait3A_126 = arith.constant 0 : i32
        %dma_wait3A_127 = tpu.memref_slice %arg6[%add3A_125, %dma_wait3A_126] : memref<40x128xi32, #tpu.memory_space<vmem>> -> memref<1x128xi32, #tpu.memory_space<vmem>>
        %dma_wait3A_128 = tpu.memref_squeeze %dma_wait3A_127 : memref<1x128xi32, #tpu.memory_space<vmem>> -> memref<128xi32, #tpu.memory_space<vmem>>
        %dma_wait3A_129 = arith.constant 0 : i32
        %dma_wait3A_130 = arith.constant 0 : i32
        %dma_wait3A_131 = tpu.memref_slice %arg2[%dma_wait3A_129, %dma_wait3A_130] : memref<20000x128xf32, #tpu.memory_space<hbm>> -> memref<20000x128xf32, #tpu.memory_space<hbm>>
        tpu.wait_indirect_dma semaphore(%arg11 : memref<!tpu.dma_semaphore, #tpu.memory_space<semaphore_mem>>) src(%dma_wait3A_131 : memref<20000x128xf32, #tpu.memory_space<hbm>>) dst(%arg8 : memref<128x128xf32, #tpu.memory_space<vmem>>)
        "tpu.region"() ({
          %run_scoped3A_156 = tpu.sem_alloc : memref<!tpu.dma_semaphore, #tpu.memory_space<semaphore_mem>>
          %dma_start3A_157 = arith.constant 0 : i32
          %dma_start3A_158 = tpu.memref_slice %arg7[%add3A_125, %dma_start3A_157] : memref<40x128xi32, #tpu.memory_space<vmem>> -> memref<1x128xi32, #tpu.memory_space<vmem>>
          %dma_start3A_159 = tpu.memref_squeeze %dma_start3A_158 : memref<1x128xi32, #tpu.memory_space<vmem>> -> memref<128xi32, #tpu.memory_space<vmem>>
          %dma_start3A_160 = arith.constant 0 : i32
          %dma_start3A_161 = arith.constant 0 : i32
          %dma_start3A_162 = tpu.memref_slice %arg10[%dma_start3A_160, %dma_start3A_161] : memref<10016x128xf32, #tpu.memory_space<vmem_shared>> -> memref<10016x128xf32, #tpu.memory_space<vmem_shared>>
          tpu.enqueue_indirect_dma source(%arg8 : memref<128x128xf32, #tpu.memory_space<vmem>>) target(%dma_start3A_162 : memref<10016x128xf32, #tpu.memory_space<vmem_shared>>) offsets(%dma_start3A_159 : memref<128xi32, #tpu.memory_space<vmem>>) semaphore(%run_scoped3A_156 : memref<!tpu.dma_semaphore, #tpu.memory_space<semaphore_mem>>) {add = true}
          %dma_wait3A_163 = arith.constant 0 : i32
          %dma_wait3A_164 = tpu.memref_slice %arg7[%add3A_125, %dma_wait3A_163] : memref<40x128xi32, #tpu.memory_space<vmem>> -> memref<1x128xi32, #tpu.memory_space<vmem>>
          %dma_wait3A_165 = tpu.memref_squeeze %dma_wait3A_164 : memref<1x128xi32, #tpu.memory_space<vmem>> -> memref<128xi32, #tpu.memory_space<vmem>>
          %dma_wait3A_166 = arith.constant 0 : i32
          %dma_wait3A_167 = arith.constant 0 : i32
          %dma_wait3A_168 = tpu.memref_slice %arg10[%dma_wait3A_166, %dma_wait3A_167] : memref<10016x128xf32, #tpu.memory_space<vmem_shared>> -> memref<10016x128xf32, #tpu.memory_space<vmem_shared>>
          tpu.wait_indirect_dma semaphore(%run_scoped3A_156 : memref<!tpu.dma_semaphore, #tpu.memory_space<semaphore_mem>>) src(%arg8 : memref<128x128xf32, #tpu.memory_space<vmem>>) dst(%dma_wait3A_168 : memref<10016x128xf32, #tpu.memory_space<vmem_shared>>)
          tpu.yield
        }) : () -> ()
        %add3A_132 = arith.constant 2 : i32
        %add3A_133 = arith.addi %add3A_125, %add3A_132 : i32
        %dma_start3A_134 = arith.constant 0 : i32
        %dma_start3A_135 = tpu.memref_slice %arg6[%add3A_133, %dma_start3A_134] : memref<40x128xi32, #tpu.memory_space<vmem>> -> memref<1x128xi32, #tpu.memory_space<vmem>>
        %dma_start3A_136 = tpu.memref_squeeze %dma_start3A_135 : memref<1x128xi32, #tpu.memory_space<vmem>> -> memref<128xi32, #tpu.memory_space<vmem>>
        %dma_start3A_137 = arith.constant 0 : i32
        %dma_start3A_138 = arith.constant 0 : i32
        %dma_start3A_139 = tpu.memref_slice %arg2[%dma_start3A_137, %dma_start3A_138] : memref<20000x128xf32, #tpu.memory_space<hbm>> -> memref<20000x128xf32, #tpu.memory_space<hbm>>
        tpu.enqueue_indirect_dma source(%dma_start3A_139 : memref<20000x128xf32, #tpu.memory_space<hbm>>) target(%arg8 : memref<128x128xf32, #tpu.memory_space<vmem>>) offsets(%dma_start3A_136 : memref<128xi32, #tpu.memory_space<vmem>>) semaphore(%arg11 : memref<!tpu.dma_semaphore, #tpu.memory_space<semaphore_mem>>)
        %add3A_140 = arith.constant 3 : i32
        %add3A_141 = arith.addi %mul3A_93, %add3A_140 : i32
        %dma_wait3A_142 = arith.constant 0 : i32
        %dma_wait3A_143 = tpu.memref_slice %arg6[%add3A_141, %dma_wait3A_142] : memref<40x128xi32, #tpu.memory_space<vmem>> -> memref<1x128xi32, #tpu.memory_space<vmem>>
        %dma_wait3A_144 = tpu.memref_squeeze %dma_wait3A_143 : memref<1x128xi32, #tpu.memory_space<vmem>> -> memref<128xi32, #tpu.memory_space<vmem>>
        %dma_wait3A_145 = arith.constant 0 : i32
        %dma_wait3A_146 = arith.constant 0 : i32
        %dma_wait3A_147 = tpu.memref_slice %arg2[%dma_wait3A_145, %dma_wait3A_146] : memref<20000x128xf32, #tpu.memory_space<hbm>> -> memref<20000x128xf32, #tpu.memory_space<hbm>>
        tpu.wait_indirect_dma semaphore(%arg12 : memref<!tpu.dma_semaphore, #tpu.memory_space<semaphore_mem>>) src(%dma_wait3A_147 : memref<20000x128xf32, #tpu.memory_space<hbm>>) dst(%arg9 : memref<128x128xf32, #tpu.memory_space<vmem>>)
        "tpu.region"() ({
          %run_scoped3A_156 = tpu.sem_alloc : memref<!tpu.dma_semaphore, #tpu.memory_space<semaphore_mem>>
          %dma_start3A_157 = arith.constant 0 : i32
          %dma_start3A_158 = tpu.memref_slice %arg7[%add3A_141, %dma_start3A_157] : memref<40x128xi32, #tpu.memory_space<vmem>> -> memref<1x128xi32, #tpu.memory_space<vmem>>
          %dma_start3A_159 = tpu.memref_squeeze %dma_start3A_158 : memref<1x128xi32, #tpu.memory_space<vmem>> -> memref<128xi32, #tpu.memory_space<vmem>>
          %dma_start3A_160 = arith.constant 0 : i32
          %dma_start3A_161 = arith.constant 0 : i32
          %dma_start3A_162 = tpu.memref_slice %arg10[%dma_start3A_160, %dma_start3A_161] : memref<10016x128xf32, #tpu.memory_space<vmem_shared>> -> memref<10016x128xf32, #tpu.memory_space<vmem_shared>>
          tpu.enqueue_indirect_dma source(%arg9 : memref<128x128xf32, #tpu.memory_space<vmem>>) target(%dma_start3A_162 : memref<10016x128xf32, #tpu.memory_space<vmem_shared>>) offsets(%dma_start3A_159 : memref<128xi32, #tpu.memory_space<vmem>>) semaphore(%run_scoped3A_156 : memref<!tpu.dma_semaphore, #tpu.memory_space<semaphore_mem>>) {add = true}
          %dma_wait3A_163 = arith.constant 0 : i32
          %dma_wait3A_164 = tpu.memref_slice %arg7[%add3A_141, %dma_wait3A_163] : memref<40x128xi32, #tpu.memory_space<vmem>> -> memref<1x128xi32, #tpu.memory_space<vmem>>
          %dma_wait3A_165 = tpu.memref_squeeze %dma_wait3A_164 : memref<1x128xi32, #tpu.memory_space<vmem>> -> memref<128xi32, #tpu.memory_space<vmem>>
          %dma_wait3A_166 = arith.constant 0 : i32
          %dma_wait3A_167 = arith.constant 0 : i32
          %dma_wait3A_168 = tpu.memref_slice %arg10[%dma_wait3A_166, %dma_wait3A_167] : memref<10016x128xf32, #tpu.memory_space<vmem_shared>> -> memref<10016x128xf32, #tpu.memory_space<vmem_shared>>
          tpu.wait_indirect_dma semaphore(%run_scoped3A_156 : memref<!tpu.dma_semaphore, #tpu.memory_space<semaphore_mem>>) src(%arg9 : memref<128x128xf32, #tpu.memory_space<vmem>>) dst(%dma_wait3A_168 : memref<10016x128xf32, #tpu.memory_space<vmem_shared>>)
          tpu.yield
        }) : () -> ()
        %add3A_148 = arith.constant 2 : i32
        %add3A_149 = arith.addi %add3A_141, %add3A_148 : i32
        %dma_start3A_150 = arith.constant 0 : i32
        %dma_start3A_151 = tpu.memref_slice %arg6[%add3A_149, %dma_start3A_150] : memref<40x128xi32, #tpu.memory_space<vmem>> -> memref<1x128xi32, #tpu.memory_space<vmem>>
        %dma_start3A_152 = tpu.memref_squeeze %dma_start3A_151 : memref<1x128xi32, #tpu.memory_space<vmem>> -> memref<128xi32, #tpu.memory_space<vmem>>
        %dma_start3A_153 = arith.constant 0 : i32
        %dma_start3A_154 = arith.constant 0 : i32
        %dma_start3A_155 = tpu.memref_slice %arg2[%dma_start3A_153, %dma_start3A_154] : memref<20000x128xf32, #tpu.memory_space<hbm>> -> memref<20000x128xf32, #tpu.memory_space<hbm>>
        tpu.enqueue_indirect_dma source(%dma_start3A_155 : memref<20000x128xf32, #tpu.memory_space<hbm>>) target(%arg9 : memref<128x128xf32, #tpu.memory_space<vmem>>) offsets(%dma_start3A_152 : memref<128xi32, #tpu.memory_space<vmem>>) semaphore(%arg12 : memref<!tpu.dma_semaphore, #tpu.memory_space<semaphore_mem>>)
      }
      %scan3A_46 = arith.constant 9 : i32
      %dma_wait3A = arith.constant 36 : i32
      %dma_wait3A_47 = arith.constant 0 : i32
      %dma_wait3A_48 = tpu.memref_slice %arg6[%dma_wait3A, %dma_wait3A_47] : memref<40x128xi32, #tpu.memory_space<vmem>> -> memref<1x128xi32, #tpu.memory_space<vmem>>
      %dma_wait3A_49 = tpu.memref_squeeze %dma_wait3A_48 : memref<1x128xi32, #tpu.memory_space<vmem>> -> memref<128xi32, #tpu.memory_space<vmem>>
      %dma_wait3A_50 = arith.constant 0 : i32
      %dma_wait3A_51 = arith.constant 0 : i32
      %dma_wait3A_52 = tpu.memref_slice %arg2[%dma_wait3A_50, %dma_wait3A_51] : memref<20000x128xf32, #tpu.memory_space<hbm>> -> memref<20000x128xf32, #tpu.memory_space<hbm>>
      tpu.wait_indirect_dma semaphore(%arg11 : memref<!tpu.dma_semaphore, #tpu.memory_space<semaphore_mem>>) src(%dma_wait3A_52 : memref<20000x128xf32, #tpu.memory_space<hbm>>) dst(%arg8 : memref<128x128xf32, #tpu.memory_space<vmem>>)
      %run_scoped3A = arith.constant 36 : i32
      "tpu.region"() ({
        %run_scoped3A_91 = tpu.sem_alloc : memref<!tpu.dma_semaphore, #tpu.memory_space<semaphore_mem>>
        %dma_start3A_92 = arith.constant 0 : i32
        %dma_start3A_93 = tpu.memref_slice %arg7[%run_scoped3A, %dma_start3A_92] : memref<40x128xi32, #tpu.memory_space<vmem>> -> memref<1x128xi32, #tpu.memory_space<vmem>>
        %dma_start3A_94 = tpu.memref_squeeze %dma_start3A_93 : memref<1x128xi32, #tpu.memory_space<vmem>> -> memref<128xi32, #tpu.memory_space<vmem>>
        %dma_start3A_95 = arith.constant 0 : i32
        %dma_start3A_96 = arith.constant 0 : i32
        %dma_start3A_97 = tpu.memref_slice %arg10[%dma_start3A_95, %dma_start3A_96] : memref<10016x128xf32, #tpu.memory_space<vmem_shared>> -> memref<10016x128xf32, #tpu.memory_space<vmem_shared>>
        tpu.enqueue_indirect_dma source(%arg8 : memref<128x128xf32, #tpu.memory_space<vmem>>) target(%dma_start3A_97 : memref<10016x128xf32, #tpu.memory_space<vmem_shared>>) offsets(%dma_start3A_94 : memref<128xi32, #tpu.memory_space<vmem>>) semaphore(%run_scoped3A_91 : memref<!tpu.dma_semaphore, #tpu.memory_space<semaphore_mem>>) {add = true}
        %dma_wait3A_98 = arith.constant 0 : i32
        %dma_wait3A_99 = tpu.memref_slice %arg7[%run_scoped3A, %dma_wait3A_98] : memref<40x128xi32, #tpu.memory_space<vmem>> -> memref<1x128xi32, #tpu.memory_space<vmem>>
        %dma_wait3A_100 = tpu.memref_squeeze %dma_wait3A_99 : memref<1x128xi32, #tpu.memory_space<vmem>> -> memref<128xi32, #tpu.memory_space<vmem>>
        %dma_wait3A_101 = arith.constant 0 : i32
        %dma_wait3A_102 = arith.constant 0 : i32
        %dma_wait3A_103 = tpu.memref_slice %arg10[%dma_wait3A_101, %dma_wait3A_102] : memref<10016x128xf32, #tpu.memory_space<vmem_shared>> -> memref<10016x128xf32, #tpu.memory_space<vmem_shared>>
        tpu.wait_indirect_dma semaphore(%run_scoped3A_91 : memref<!tpu.dma_semaphore, #tpu.memory_space<semaphore_mem>>) src(%arg8 : memref<128x128xf32, #tpu.memory_space<vmem>>) dst(%dma_wait3A_103 : memref<10016x128xf32, #tpu.memory_space<vmem_shared>>)
        tpu.yield
      }) : () -> ()
      %dma_start3A_53 = arith.constant 38 : i32
      %dma_start3A_54 = arith.constant 0 : i32
      %dma_start3A_55 = tpu.memref_slice %arg6[%dma_start3A_53, %dma_start3A_54] : memref<40x128xi32, #tpu.memory_space<vmem>> -> memref<1x128xi32, #tpu.memory_space<vmem>>
      %dma_start3A_56 = tpu.memref_squeeze %dma_start3A_55 : memref<1x128xi32, #tpu.memory_space<vmem>> -> memref<128xi32, #tpu.memory_space<vmem>>
      %dma_start3A_57 = arith.constant 0 : i32
      %dma_start3A_58 = arith.constant 0 : i32
      %dma_start3A_59 = tpu.memref_slice %arg2[%dma_start3A_57, %dma_start3A_58] : memref<20000x128xf32, #tpu.memory_space<hbm>> -> memref<20000x128xf32, #tpu.memory_space<hbm>>
      tpu.enqueue_indirect_dma source(%dma_start3A_59 : memref<20000x128xf32, #tpu.memory_space<hbm>>) target(%arg8 : memref<128x128xf32, #tpu.memory_space<vmem>>) offsets(%dma_start3A_56 : memref<128xi32, #tpu.memory_space<vmem>>) semaphore(%arg11 : memref<!tpu.dma_semaphore, #tpu.memory_space<semaphore_mem>>)
      %dma_wait3A_60 = arith.constant 37 : i32
      %dma_wait3A_61 = arith.constant 0 : i32
      %dma_wait3A_62 = tpu.memref_slice %arg6[%dma_wait3A_60, %dma_wait3A_61] : memref<40x128xi32, #tpu.memory_space<vmem>> -> memref<1x128xi32, #tpu.memory_space<vmem>>
      %dma_wait3A_63 = tpu.memref_squeeze %dma_wait3A_62 : memref<1x128xi32, #tpu.memory_space<vmem>> -> memref<128xi32, #tpu.memory_space<vmem>>
      %dma_wait3A_64 = arith.constant 0 : i32
      %dma_wait3A_65 = arith.constant 0 : i32
      %dma_wait3A_66 = tpu.memref_slice %arg2[%dma_wait3A_64, %dma_wait3A_65] : memref<20000x128xf32, #tpu.memory_space<hbm>> -> memref<20000x128xf32, #tpu.memory_space<hbm>>
      tpu.wait_indirect_dma semaphore(%arg12 : memref<!tpu.dma_semaphore, #tpu.memory_space<semaphore_mem>>) src(%dma_wait3A_66 : memref<20000x128xf32, #tpu.memory_space<hbm>>) dst(%arg9 : memref<128x128xf32, #tpu.memory_space<vmem>>)
      %run_scoped3A_67 = arith.constant 37 : i32
      "tpu.region"() ({
        %run_scoped3A_91 = tpu.sem_alloc : memref<!tpu.dma_semaphore, #tpu.memory_space<semaphore_mem>>
        %dma_start3A_92 = arith.constant 0 : i32
        %dma_start3A_93 = tpu.memref_slice %arg7[%run_scoped3A_67, %dma_start3A_92] : memref<40x128xi32, #tpu.memory_space<vmem>> -> memref<1x128xi32, #tpu.memory_space<vmem>>
        %dma_start3A_94 = tpu.memref_squeeze %dma_start3A_93 : memref<1x128xi32, #tpu.memory_space<vmem>> -> memref<128xi32, #tpu.memory_space<vmem>>
        %dma_start3A_95 = arith.constant 0 : i32
        %dma_start3A_96 = arith.constant 0 : i32
        %dma_start3A_97 = tpu.memref_slice %arg10[%dma_start3A_95, %dma_start3A_96] : memref<10016x128xf32, #tpu.memory_space<vmem_shared>> -> memref<10016x128xf32, #tpu.memory_space<vmem_shared>>
        tpu.enqueue_indirect_dma source(%arg9 : memref<128x128xf32, #tpu.memory_space<vmem>>) target(%dma_start3A_97 : memref<10016x128xf32, #tpu.memory_space<vmem_shared>>) offsets(%dma_start3A_94 : memref<128xi32, #tpu.memory_space<vmem>>) semaphore(%run_scoped3A_91 : memref<!tpu.dma_semaphore, #tpu.memory_space<semaphore_mem>>) {add = true}
        %dma_wait3A_98 = arith.constant 0 : i32
        %dma_wait3A_99 = tpu.memref_slice %arg7[%run_scoped3A_67, %dma_wait3A_98] : memref<40x128xi32, #tpu.memory_space<vmem>> -> memref<1x128xi32, #tpu.memory_space<vmem>>
        %dma_wait3A_100 = tpu.memref_squeeze %dma_wait3A_99 : memref<1x128xi32, #tpu.memory_space<vmem>> -> memref<128xi32, #tpu.memory_space<vmem>>
        %dma_wait3A_101 = arith.constant 0 : i32
        %dma_wait3A_102 = arith.constant 0 : i32
        %dma_wait3A_103 = tpu.memref_slice %arg10[%dma_wait3A_101, %dma_wait3A_102] : memref<10016x128xf32, #tpu.memory_space<vmem_shared>> -> memref<10016x128xf32, #tpu.memory_space<vmem_shared>>
        tpu.wait_indirect_dma semaphore(%run_scoped3A_91 : memref<!tpu.dma_semaphore, #tpu.memory_space<semaphore_mem>>) src(%arg9 : memref<128x128xf32, #tpu.memory_space<vmem>>) dst(%dma_wait3A_103 : memref<10016x128xf32, #tpu.memory_space<vmem_shared>>)
        tpu.yield
      }) : () -> ()
      %dma_start3A_68 = arith.constant 39 : i32
      %dma_start3A_69 = arith.constant 0 : i32
      %dma_start3A_70 = tpu.memref_slice %arg6[%dma_start3A_68, %dma_start3A_69] : memref<40x128xi32, #tpu.memory_space<vmem>> -> memref<1x128xi32, #tpu.memory_space<vmem>>
      %dma_start3A_71 = tpu.memref_squeeze %dma_start3A_70 : memref<1x128xi32, #tpu.memory_space<vmem>> -> memref<128xi32, #tpu.memory_space<vmem>>
      %dma_start3A_72 = arith.constant 0 : i32
      %dma_start3A_73 = arith.constant 0 : i32
      %dma_start3A_74 = tpu.memref_slice %arg2[%dma_start3A_72, %dma_start3A_73] : memref<20000x128xf32, #tpu.memory_space<hbm>> -> memref<20000x128xf32, #tpu.memory_space<hbm>>
      tpu.enqueue_indirect_dma source(%dma_start3A_74 : memref<20000x128xf32, #tpu.memory_space<hbm>>) target(%arg9 : memref<128x128xf32, #tpu.memory_space<vmem>>) offsets(%dma_start3A_71 : memref<128xi32, #tpu.memory_space<vmem>>) semaphore(%arg12 : memref<!tpu.dma_semaphore, #tpu.memory_space<semaphore_mem>>)
      %dma_wait3A_75 = arith.constant 38 : i32
      %dma_wait3A_76 = arith.constant 0 : i32
      %dma_wait3A_77 = tpu.memref_slice %arg6[%dma_wait3A_75, %dma_wait3A_76] : memref<40x128xi32, #tpu.memory_space<vmem>> -> memref<1x128xi32, #tpu.memory_space<vmem>>
      %dma_wait3A_78 = tpu.memref_squeeze %dma_wait3A_77 : memref<1x128xi32, #tpu.memory_space<vmem>> -> memref<128xi32, #tpu.memory_space<vmem>>
      %dma_wait3A_79 = arith.constant 0 : i32
      %dma_wait3A_80 = arith.constant 0 : i32
      %dma_wait3A_81 = tpu.memref_slice %arg2[%dma_wait3A_79, %dma_wait3A_80] : memref<20000x128xf32, #tpu.memory_space<hbm>> -> memref<20000x128xf32, #tpu.memory_space<hbm>>
      tpu.wait_indirect_dma semaphore(%arg11 : memref<!tpu.dma_semaphore, #tpu.memory_space<semaphore_mem>>) src(%dma_wait3A_81 : memref<20000x128xf32, #tpu.memory_space<hbm>>) dst(%arg8 : memref<128x128xf32, #tpu.memory_space<vmem>>)
      %run_scoped3A_82 = arith.constant 38 : i32
      "tpu.region"() ({
        %run_scoped3A_91 = tpu.sem_alloc : memref<!tpu.dma_semaphore, #tpu.memory_space<semaphore_mem>>
        %dma_start3A_92 = arith.constant 0 : i32
        %dma_start3A_93 = tpu.memref_slice %arg7[%run_scoped3A_82, %dma_start3A_92] : memref<40x128xi32, #tpu.memory_space<vmem>> -> memref<1x128xi32, #tpu.memory_space<vmem>>
        %dma_start3A_94 = tpu.memref_squeeze %dma_start3A_93 : memref<1x128xi32, #tpu.memory_space<vmem>> -> memref<128xi32, #tpu.memory_space<vmem>>
        %dma_start3A_95 = arith.constant 0 : i32
        %dma_start3A_96 = arith.constant 0 : i32
        %dma_start3A_97 = tpu.memref_slice %arg10[%dma_start3A_95, %dma_start3A_96] : memref<10016x128xf32, #tpu.memory_space<vmem_shared>> -> memref<10016x128xf32, #tpu.memory_space<vmem_shared>>
        tpu.enqueue_indirect_dma source(%arg8 : memref<128x128xf32, #tpu.memory_space<vmem>>) target(%dma_start3A_97 : memref<10016x128xf32, #tpu.memory_space<vmem_shared>>) offsets(%dma_start3A_94 : memref<128xi32, #tpu.memory_space<vmem>>) semaphore(%run_scoped3A_91 : memref<!tpu.dma_semaphore, #tpu.memory_space<semaphore_mem>>) {add = true}
        %dma_wait3A_98 = arith.constant 0 : i32
        %dma_wait3A_99 = tpu.memref_slice %arg7[%run_scoped3A_82, %dma_wait3A_98] : memref<40x128xi32, #tpu.memory_space<vmem>> -> memref<1x128xi32, #tpu.memory_space<vmem>>
        %dma_wait3A_100 = tpu.memref_squeeze %dma_wait3A_99 : memref<1x128xi32, #tpu.memory_space<vmem>> -> memref<128xi32, #tpu.memory_space<vmem>>
        %dma_wait3A_101 = arith.constant 0 : i32
        %dma_wait3A_102 = arith.constant 0 : i32
        %dma_wait3A_103 = tpu.memref_slice %arg10[%dma_wait3A_101, %dma_wait3A_102] : memref<10016x128xf32, #tpu.memory_space<vmem_shared>> -> memref<10016x128xf32, #tpu.memory_space<vmem_shared>>
        tpu.wait_indirect_dma semaphore(%run_scoped3A_91 : memref<!tpu.dma_semaphore, #tpu.memory_space<semaphore_mem>>) src(%arg8 : memref<128x128xf32, #tpu.memory_space<vmem>>) dst(%dma_wait3A_103 : memref<10016x128xf32, #tpu.memory_space<vmem_shared>>)
        tpu.yield
      }) : () -> ()
      %dma_wait3A_83 = arith.constant 39 : i32
      %dma_wait3A_84 = arith.constant 0 : i32
      %dma_wait3A_85 = tpu.memref_slice %arg6[%dma_wait3A_83, %dma_wait3A_84] : memref<40x128xi32, #tpu.memory_space<vmem>> -> memref<1x128xi32, #tpu.memory_space<vmem>>
      %dma_wait3A_86 = tpu.memref_squeeze %dma_wait3A_85 : memref<1x128xi32, #tpu.memory_space<vmem>> -> memref<128xi32, #tpu.memory_space<vmem>>
      %dma_wait3A_87 = arith.constant 0 : i32
      %dma_wait3A_88 = arith.constant 0 : i32
      %dma_wait3A_89 = tpu.memref_slice %arg2[%dma_wait3A_87, %dma_wait3A_88] : memref<20000x128xf32, #tpu.memory_space<hbm>> -> memref<20000x128xf32, #tpu.memory_space<hbm>>
      tpu.wait_indirect_dma semaphore(%arg12 : memref<!tpu.dma_semaphore, #tpu.memory_space<semaphore_mem>>) src(%dma_wait3A_89 : memref<20000x128xf32, #tpu.memory_space<hbm>>) dst(%arg9 : memref<128x128xf32, #tpu.memory_space<vmem>>)
      %run_scoped3A_90 = arith.constant 39 : i32
      "tpu.region"() ({
        %run_scoped3A_91 = tpu.sem_alloc : memref<!tpu.dma_semaphore, #tpu.memory_space<semaphore_mem>>
        %dma_start3A_92 = arith.constant 0 : i32
        %dma_start3A_93 = tpu.memref_slice %arg7[%run_scoped3A_90, %dma_start3A_92] : memref<40x128xi32, #tpu.memory_space<vmem>> -> memref<1x128xi32, #tpu.memory_space<vmem>>
        %dma_start3A_94 = tpu.memref_squeeze %dma_start3A_93 : memref<1x128xi32, #tpu.memory_space<vmem>> -> memref<128xi32, #tpu.memory_space<vmem>>
        %dma_start3A_95 = arith.constant 0 : i32
        %dma_start3A_96 = arith.constant 0 : i32
        %dma_start3A_97 = tpu.memref_slice %arg10[%dma_start3A_95, %dma_start3A_96] : memref<10016x128xf32, #tpu.memory_space<vmem_shared>> -> memref<10016x128xf32, #tpu.memory_space<vmem_shared>>
        tpu.enqueue_indirect_dma source(%arg9 : memref<128x128xf32, #tpu.memory_space<vmem>>) target(%dma_start3A_97 : memref<10016x128xf32, #tpu.memory_space<vmem_shared>>) offsets(%dma_start3A_94 : memref<128xi32, #tpu.memory_space<vmem>>) semaphore(%run_scoped3A_91 : memref<!tpu.dma_semaphore, #tpu.memory_space<semaphore_mem>>) {add = true}
        %dma_wait3A_98 = arith.constant 0 : i32
        %dma_wait3A_99 = tpu.memref_slice %arg7[%run_scoped3A_90, %dma_wait3A_98] : memref<40x128xi32, #tpu.memory_space<vmem>> -> memref<1x128xi32, #tpu.memory_space<vmem>>
        %dma_wait3A_100 = tpu.memref_squeeze %dma_wait3A_99 : memref<1x128xi32, #tpu.memory_space<vmem>> -> memref<128xi32, #tpu.memory_space<vmem>>
        %dma_wait3A_101 = arith.constant 0 : i32
        %dma_wait3A_102 = arith.constant 0 : i32
        %dma_wait3A_103 = tpu.memref_slice %arg10[%dma_wait3A_101, %dma_wait3A_102] : memref<10016x128xf32, #tpu.memory_space<vmem_shared>> -> memref<10016x128xf32, #tpu.memory_space<vmem_shared>>
        tpu.wait_indirect_dma semaphore(%run_scoped3A_91 : memref<!tpu.dma_semaphore, #tpu.memory_space<semaphore_mem>>) src(%arg9 : memref<128x128xf32, #tpu.memory_space<vmem>>) dst(%dma_wait3A_103 : memref<10016x128xf32, #tpu.memory_space<vmem_shared>>)
        tpu.yield
      }) : () -> ()
    }
    %scan3A_11 = arith.constant 4 : i32
    %barrier3A_12 = arith.constant 0 : index
    tpu.barrier barrier_id(%barrier3A_12)
    %mul3A_13 = arith.constant 10000 : i32
    %mul3A_14 = arith.muli %arg0, %mul3A_13 : i32
    %add3A_15 = arith.addi %mul3A_14, %mul3A_0 : i32
    "tpu.region"() ({
      %run_scoped3A = tpu.sem_alloc : memref<!tpu.dma_semaphore, #tpu.memory_space<semaphore_mem>>
      %dma_start3A = arith.constant 0 : i32
      %dma_start3A_21 = tpu.memref_slice %arg5[%add3A_15, %dma_start3A] : memref<20000x128xf32, #tpu.memory_space<hbm>> -> memref<624x128xf32, #tpu.memory_space<hbm>>
      %dma_start3A_22 = arith.constant 0 : i32
      %dma_start3A_23 = tpu.memref_slice %arg10[%mul3A_0, %dma_start3A_22] : memref<10016x128xf32, #tpu.memory_space<vmem_shared>> -> memref<624x128xf32, #tpu.memory_space<vmem_shared>>
      tpu.enqueue_dma source(%dma_start3A_23 : memref<624x128xf32, #tpu.memory_space<vmem_shared>>) target(%dma_start3A_21 : memref<624x128xf32, #tpu.memory_space<hbm>>) target_semaphore(%run_scoped3A : memref<!tpu.dma_semaphore, #tpu.memory_space<semaphore_mem>>)
      %dma_wait3A = arith.constant 0 : i32
      %dma_wait3A_24 = tpu.memref_slice %arg5[%add3A_15, %dma_wait3A] : memref<20000x128xf32, #tpu.memory_space<hbm>> -> memref<624x128xf32, #tpu.memory_space<hbm>>
      %dma_wait3A_25 = arith.constant 0 : i32
      %dma_wait3A_26 = tpu.memref_slice %arg10[%mul3A_0, %dma_wait3A_25] : memref<10016x128xf32, #tpu.memory_space<vmem_shared>> -> memref<624x128xf32, #tpu.memory_space<vmem_shared>>
      tpu.wait_dma2 semaphore(%run_scoped3A : memref<!tpu.dma_semaphore, #tpu.memory_space<semaphore_mem>>) src(%dma_wait3A_26 : memref<624x128xf32, #tpu.memory_space<vmem_shared>>) dst(%dma_wait3A_24 : memref<624x128xf32, #tpu.memory_space<hbm>>)
      tpu.yield
    }) : () -> ()
    %eq3A_16 = arith.constant 15 : i32
    %eq3A_17 = arith.cmpi eq, %arg1, %eq3A_16 : i32
    %convert_element_type3A_18 = arith.extui %eq3A_17 : i1 to i32
    %cond3A_19 = arith.constant 0 : i32
    %cond3A_20 = arith.cmpi ne, %convert_element_type3A_18, %cond3A_19 : i32
    scf.if %cond3A_20 {
      %mul3A_21 = arith.constant 10000 : i32
      %mul3A_22 = arith.muli %arg0, %mul3A_21 : i32
      %add3A_23 = arith.constant 9984 : i32
      %add3A_24 = arith.addi %mul3A_22, %add3A_23 : i32
      "tpu.region"() ({
        %run_scoped3A = tpu.sem_alloc : memref<!tpu.dma_semaphore, #tpu.memory_space<semaphore_mem>>
        %dma_start3A = arith.constant 0 : i32
        %dma_start3A_25 = tpu.memref_slice %arg5[%add3A_24, %dma_start3A] : memref<20000x128xf32, #tpu.memory_space<hbm>> -> memref<16x128xf32, #tpu.memory_space<hbm>>
        %dma_start3A_26 = arith.constant 9984 : i32
        %dma_start3A_27 = arith.constant 0 : i32
        %dma_start3A_28 = tpu.memref_slice %arg10[%dma_start3A_26, %dma_start3A_27] : memref<10016x128xf32, #tpu.memory_space<vmem_shared>> -> memref<16x128xf32, #tpu.memory_space<vmem_shared>>
        tpu.enqueue_dma source(%dma_start3A_28 : memref<16x128xf32, #tpu.memory_space<vmem_shared>>) target(%dma_start3A_25 : memref<16x128xf32, #tpu.memory_space<hbm>>) target_semaphore(%run_scoped3A : memref<!tpu.dma_semaphore, #tpu.memory_space<semaphore_mem>>)
        %dma_wait3A = arith.constant 0 : i32
        %dma_wait3A_29 = tpu.memref_slice %arg5[%add3A_24, %dma_wait3A] : memref<20000x128xf32, #tpu.memory_space<hbm>> -> memref<16x128xf32, #tpu.memory_space<hbm>>
        %dma_wait3A_30 = arith.constant 9984 : i32
        %dma_wait3A_31 = arith.constant 0 : i32
        %dma_wait3A_32 = tpu.memref_slice %arg10[%dma_wait3A_30, %dma_wait3A_31] : memref<10016x128xf32, #tpu.memory_space<vmem_shared>> -> memref<16x128xf32, #tpu.memory_space<vmem_shared>>
        tpu.wait_dma2 semaphore(%run_scoped3A : memref<!tpu.dma_semaphore, #tpu.memory_space<semaphore_mem>>) src(%dma_wait3A_32 : memref<16x128xf32, #tpu.memory_space<vmem_shared>>) dst(%dma_wait3A_29 : memref<16x128xf32, #tpu.memory_space<hbm>>)
        tpu.yield
      }) : () -> ()
    } else {
    }
    return
  }
}

module attributes {stable_mosaic.version = 14 : i64} {
  func.func @_scale1_body(%arg0: i32, %arg1: i32, %arg2: memref<2000x128xf32, #tpu.memory_space<vmem>>, %arg3: memref<2000x8xf32, #tpu.memory_space<vmem>>, %arg4: memref<2000x8xf32, #tpu.memory_space<vmem>>, %arg5: memref<2000x128xf32, #tpu.memory_space<vmem>>, %arg6: memref<2000x1xf32, #tpu.memory_space<vmem>>) attributes {dimension_semantics = [#tpu.dimension_semantics<arbitrary>, #tpu.dimension_semantics<arbitrary>], iteration_bounds = array<i64: 5, 2>, scalar_prefetch = 0 : i64, scratch_operands = 0 : i64, tpu.core_type = #tpu.core_type<tc>, window_params = [{transform_indices = @transform_0, window_bounds = array<i64: 2000, 128>}, {transform_indices = @transform_1, window_bounds = array<i64: 2000, 8>}, {transform_indices = @transform_2, window_bounds = array<i64: 2000, 8>}, {transform_indices = @transform_3, window_bounds = array<i64: 2000, 128>}, {transform_indices = @transform_4, window_bounds = array<i64: 2000, 1>}]} {
    %get3A = arith.constant 0 : index
    %get3A_0 = arith.constant 0 : index
    %get3A_1 = vector.load %arg3[%get3A, %get3A_0] : memref<2000x8xf32, #tpu.memory_space<vmem>>, vector<2000x1xf32>
    %get3A_2 = arith.constant 0 : index
    %get3A_3 = arith.constant 0 : index
    %get3A_4 = vector.load %arg4[%get3A_2, %get3A_3] : memref<2000x8xf32, #tpu.memory_space<vmem>>, vector<2000x1xf32>
    %add3A = arith.addf %get3A_1, %get3A_4 : vector<2000x1xf32>
    %rsqrt3A = math.rsqrt %add3A : vector<2000x1xf32>
    %get3A_5 = arith.constant 0 : index
    %get3A_6 = arith.constant 0 : index
    %get3A_7 = vector.load %arg2[%get3A_5, %get3A_6] : memref<2000x128xf32, #tpu.memory_space<vmem>>, vector<2000x128xf32>
    %mul3A = vector.broadcast %rsqrt3A : vector<2000x1xf32> to vector<2000x128xf32>
    %mul3A_8 = arith.mulf %get3A_7, %mul3A : vector<2000x128xf32>
    %swap3A = arith.constant 0 : index
    %swap3A_9 = arith.constant 0 : index
    %swap3A_10 = vector.load %arg5[%swap3A, %swap3A_9] : memref<2000x128xf32, #tpu.memory_space<vmem>>, vector<2000x128xf32>
    tpu.vector_store %arg5[%swap3A, %swap3A_9], %mul3A_8 {strides = array<i32>} : memref<2000x128xf32, #tpu.memory_space<vmem>>, vector<2000x128xf32>,
    %swap3A_11 = arith.constant 0 : index
    %swap3A_12 = arith.constant 0 : index
    %swap3A_13 = vector.load %arg6[%swap3A_11, %swap3A_12] : memref<2000x1xf32, #tpu.memory_space<vmem>>, vector<2000x1xf32>
    tpu.vector_store %arg6[%swap3A_11, %swap3A_12], %rsqrt3A {strides = array<i32>} : memref<2000x1xf32, #tpu.memory_space<vmem>>, vector<2000x1xf32>,
    return
  }
  func.func @transform_0(%arg0: i32, %arg1: i32) -> (i32, i32) {
    %c0_i32 = arith.constant 0 : i32
    %c0_i32_0 = arith.constant 0 : i32
    return %arg0, %c0_i32 : i32, i32
  }
  func.func @transform_1(%arg0: i32, %arg1: i32) -> (i32, i32) {
    %c0_i32 = arith.constant 0 : i32
    %c0_i32_0 = arith.constant 0 : i32
    return %arg0, %c0_i32 : i32, i32
  }
  func.func @transform_2(%arg0: i32, %arg1: i32) -> (i32, i32) {
    %add3A = arith.constant 5 : i32
    %add3A_0 = arith.addi %add3A, %arg0 : i32
    %c0_i32 = arith.constant 0 : i32
    %c0_i32_1 = arith.constant 0 : i32
    return %add3A_0, %c0_i32 : i32, i32
  }
  func.func @transform_3(%arg0: i32, %arg1: i32) -> (i32, i32) {
    %mul3A = arith.constant 5 : i32
    %mul3A_0 = arith.muli %arg1, %mul3A : i32
    %add3A = arith.addi %mul3A_0, %arg0 : i32
    %c0_i32 = arith.constant 0 : i32
    %c0_i32_1 = arith.constant 0 : i32
    return %add3A, %c0_i32 : i32, i32
  }
  func.func @transform_4(%arg0: i32, %arg1: i32) -> (i32, i32) {
    %c0_i32 = arith.constant 0 : i32
    %c0_i32_0 = arith.constant 0 : i32
    return %arg0, %c0_i32 : i32, i32
  }
}

module attributes {stable_mosaic.version = 14 : i64} {
  func.func @_tca_body(%arg0: i32, %arg1: i32, %arg2: memref<2000x128xf32, #tpu.memory_space<vmem>>, %arg3: memref<2000x128xf32, #tpu.memory_space<vmem>>, %arg4: memref<2000x128xf32, #tpu.memory_space<vmem>>, %arg5: memref<2000x1xf32, #tpu.memory_space<vmem>>, %arg6: memref<128x128xf32, #tpu.memory_space<vmem>>, %arg7: memref<1x128xf32, #tpu.memory_space<vmem>>, %arg8: memref<2000x128xf32, #tpu.memory_space<vmem>>) attributes {dimension_semantics = [#tpu.dimension_semantics<arbitrary>, #tpu.dimension_semantics<arbitrary>], iteration_bounds = array<i64: 5, 2>, scalar_prefetch = 0 : i64, scratch_operands = 0 : i64, tpu.core_type = #tpu.core_type<tc>, window_params = [{transform_indices = @transform_0, window_bounds = array<i64: 2000, 128>}, {transform_indices = @transform_1, window_bounds = array<i64: 2000, 128>}, {transform_indices = @transform_2, window_bounds = array<i64: 2000, 128>}, {transform_indices = @transform_3, window_bounds = array<i64: 2000, 1>}, {transform_indices = @transform_4, window_bounds = array<i64: 128, 128>}, {transform_indices = @transform_5, window_bounds = array<i64: 1, 128>}, {transform_indices = @transform_6, window_bounds = array<i64: 2000, 128>}]} {
    %get3A = arith.constant 0 : index
    %get3A_0 = arith.constant 0 : index
    %get3A_1 = vector.load %arg5[%get3A, %get3A_0] : memref<2000x1xf32, #tpu.memory_space<vmem>>, vector<2000x1xf32>
    %get3A_2 = arith.constant 0 : index
    %get3A_3 = arith.constant 0 : index
    %get3A_4 = vector.load %arg2[%get3A_2, %get3A_3] : memref<2000x128xf32, #tpu.memory_space<vmem>>, vector<2000x128xf32>
    %get3A_5 = arith.constant 0 : index
    %get3A_6 = arith.constant 0 : index
    %get3A_7 = vector.load %arg3[%get3A_5, %get3A_6] : memref<2000x128xf32, #tpu.memory_space<vmem>>, vector<2000x128xf32>
    %add3A = arith.addf %get3A_4, %get3A_7 : vector<2000x128xf32>
    %get3A_8 = arith.constant 0 : index
    %get3A_9 = arith.constant 0 : index
    %get3A_10 = vector.load %arg4[%get3A_8, %get3A_9] : memref<2000x128xf32, #tpu.memory_space<vmem>>, vector<2000x128xf32>
    %mul3A = vector.broadcast %get3A_1 : vector<2000x1xf32> to vector<2000x128xf32>
    %mul3A_11 = arith.mulf %get3A_10, %mul3A : vector<2000x128xf32>
    %sub3A = arith.subf %add3A, %mul3A_11 : vector<2000x128xf32>
    %get3A_12 = arith.constant 0 : index
    %get3A_13 = arith.constant 0 : index
    %get3A_14 = vector.load %arg6[%get3A_12, %get3A_13] : memref<128x128xf32, #tpu.memory_space<vmem>>, vector<128x128xf32>
    %dot_general3A = arith.constant dense<0.000000e+00> : vector<2000x128xf32>
    %dot_general3A_15 = tpu.matmul %sub3A, %get3A_14, %dot_general3A {dimension_numbers = #tpu.dot_dimension_numbers<[1], [0], [0], [1], [0, 0, 1, 1], [], []>, transpose_lhs_hint = false} : vector<2000x128xf32>, vector<128x128xf32>, vector<2000x128xf32> -> vector<2000x128xf32>
    %mul3A_16 = vector.broadcast %get3A_1 : vector<2000x1xf32> to vector<2000x128xf32>
    %mul3A_17 = arith.mulf %dot_general3A_15, %mul3A_16 : vector<2000x128xf32>
    %get3A_18 = arith.constant 0 : index
    %get3A_19 = arith.constant 0 : index
    %get3A_20 = vector.load %arg7[%get3A_18, %get3A_19] : memref<1x128xf32, #tpu.memory_space<vmem>>, vector<1x128xf32>
    %add3A_21 = vector.broadcast %get3A_20 : vector<1x128xf32> to vector<2000x128xf32>
    %add3A_22 = arith.addf %mul3A_17, %add3A_21 : vector<2000x128xf32>
    %max3A = arith.constant 0.000000e+00 : f32
    %max3A_23 = vector.broadcast %max3A : f32 to vector<2000x128xf32>
    %max3A_24 = arith.maximumf %add3A_22, %max3A_23 : vector<2000x128xf32>
    %mul3A_25 = vector.broadcast %get3A_1 : vector<2000x1xf32> to vector<2000x128xf32>
    %mul3A_26 = arith.mulf %max3A_24, %mul3A_25 : vector<2000x128xf32>
    %swap3A = arith.constant 0 : index
    %swap3A_27 = arith.constant 0 : index
    %swap3A_28 = vector.load %arg8[%swap3A, %swap3A_27] : memref<2000x128xf32, #tpu.memory_space<vmem>>, vector<2000x128xf32>
    tpu.vector_store %arg8[%swap3A, %swap3A_27], %mul3A_26 {strides = array<i32>} : memref<2000x128xf32, #tpu.memory_space<vmem>>, vector<2000x128xf32>,
    return
  }
  func.func @transform_0(%arg0: i32, %arg1: i32) -> (i32, i32) {
    %c0_i32 = arith.constant 0 : i32
    %c0_i32_0 = arith.constant 0 : i32
    return %arg0, %c0_i32 : i32, i32
  }
  func.func @transform_1(%arg0: i32, %arg1: i32) -> (i32, i32) {
    %add3A = arith.constant 5 : i32
    %add3A_0 = arith.addi %add3A, %arg0 : i32
    %c0_i32 = arith.constant 0 : i32
    %c0_i32_1 = arith.constant 0 : i32
    return %add3A_0, %c0_i32 : i32, i32
  }
  func.func @transform_2(%arg0: i32, %arg1: i32) -> (i32, i32) {
    %c0_i32 = arith.constant 0 : i32
    %c0_i32_0 = arith.constant 0 : i32
    return %arg0, %c0_i32 : i32, i32
  }
  func.func @transform_3(%arg0: i32, %arg1: i32) -> (i32, i32) {
    %c0_i32 = arith.constant 0 : i32
    %c0_i32_0 = arith.constant 0 : i32
    return %arg0, %c0_i32 : i32, i32
  }
  func.func @transform_4(%arg0: i32, %arg1: i32) -> (i32, i32) {
    %c0_i32 = arith.constant 0 : i32
    %c0_i32_0 = arith.constant 0 : i32
    return %c0_i32, %arg1 : i32, i32
  }
  func.func @transform_5(%arg0: i32, %arg1: i32) -> (i32, i32) {
    %c0_i32 = arith.constant 0 : i32
    %c0_i32_0 = arith.constant 0 : i32
    return %c0_i32, %arg1 : i32, i32
  }
  func.func @transform_6(%arg0: i32, %arg1: i32) -> (i32, i32) {
    %mul3A = arith.constant 5 : i32
    %mul3A_0 = arith.muli %arg1, %mul3A : i32
    %add3A = arith.addi %mul3A_0, %arg0 : i32
    %c0_i32 = arith.constant 0 : i32
    %c0_i32_1 = arith.constant 0 : i32
    return %add3A, %c0_i32 : i32, i32
  }
}

module attributes {stable_mosaic.version = 14 : i64} {
  func.func @_tcb_body(%arg0: i32, %arg1: memref<2000x128xf32, #tpu.memory_space<vmem>>, %arg2: memref<2000x128xf32, #tpu.memory_space<vmem>>, %arg3: memref<2000x1xf32, #tpu.memory_space<vmem>>, %arg4: memref<256x256xf32, #tpu.memory_space<vmem>>, %arg5: memref<1x256xf32, #tpu.memory_space<vmem>>, %arg6: memref<256x1xf32, #tpu.memory_space<vmem>>, %arg7: memref<1x1xf32, #tpu.memory_space<vmem>>, %arg8: memref<1x1x2000xi32, #tpu.memory_space<vmem>>, %arg9: memref<64x1xf32, #tpu.memory_space<vmem>>, %arg10: memref<64x1xf32, #tpu.memory_space<vmem>>, %arg11: memref<64x1xf32, #tpu.memory_space<vmem>>) attributes {dimension_semantics = [#tpu.dimension_semantics<arbitrary>], iteration_bounds = array<i64: 5>, scalar_prefetch = 0 : i64, scratch_operands = 2 : i64, tpu.core_type = #tpu.core_type<tc>, window_params = [{transform_indices = @transform_0, window_bounds = array<i64: 2000, 128>}, {transform_indices = @transform_1, window_bounds = array<i64: 2000, 128>}, {transform_indices = @transform_2, window_bounds = array<i64: 2000, 1>}, {pipeline_mode = #tpu.pipeline_mode<synchronous>, transform_indices = @transform_3, window_bounds = array<i64: 256, 256>}, {pipeline_mode = #tpu.pipeline_mode<synchronous>, transform_indices = @transform_4, window_bounds = array<i64: 1, 256>}, {pipeline_mode = #tpu.pipeline_mode<synchronous>, transform_indices = @transform_5, window_bounds = array<i64: 256, 1>}, {pipeline_mode = #tpu.pipeline_mode<synchronous>, transform_indices = @transform_6, window_bounds = array<i64: 1, 1>}, {transform_indices = @transform_7, window_bounds = array<i64: 1, 1, 2000>}, {pipeline_mode = #tpu.pipeline_mode<synchronous>, transform_indices = @transform_8, window_bounds = array<i64: 64, 1>}]} {
    %get3A = arith.constant 0 : index
    %get3A_0 = arith.constant 0 : index
    %get3A_1 = vector.load %arg1[%get3A, %get3A_0] : memref<2000x128xf32, #tpu.memory_space<vmem>>, vector<2000x128xf32>
    %get3A_2 = arith.constant 0 : index
    %get3A_3 = arith.constant 0 : index
    %get3A_4 = vector.load %arg2[%get3A_2, %get3A_3] : memref<2000x128xf32, #tpu.memory_space<vmem>>, vector<2000x128xf32>
    %concatenate3A = tpu.concatenate %get3A_1, %get3A_4 in 1 : vector<2000x128xf32>, vector<2000x128xf32> -> vector<2000x256xf32>
    %get3A_5 = arith.constant 0 : index
    %get3A_6 = arith.constant 0 : index
    %get3A_7 = vector.load %arg4[%get3A_5, %get3A_6] : memref<256x256xf32, #tpu.memory_space<vmem>>, vector<256x256xf32>
    %dot_general3A = arith.constant dense<0.000000e+00> : vector<2000x256xf32>
    %dot_general3A_8 = tpu.matmul %concatenate3A, %get3A_7, %dot_general3A {dimension_numbers = #tpu.dot_dimension_numbers<[1], [0], [0], [1], [0, 0, 1, 1], [], []>, transpose_lhs_hint = false} : vector<2000x256xf32>, vector<256x256xf32>, vector<2000x256xf32> -> vector<2000x256xf32>
    %get3A_9 = arith.constant 0 : index
    %get3A_10 = arith.constant 0 : index
    %get3A_11 = vector.load %arg3[%get3A_9, %get3A_10] : memref<2000x1xf32, #tpu.memory_space<vmem>>, vector<2000x1xf32>
    %mul3A = vector.broadcast %get3A_11 : vector<2000x1xf32> to vector<2000x256xf32>
    %mul3A_12 = arith.mulf %dot_general3A_8, %mul3A : vector<2000x256xf32>
    %get3A_13 = arith.constant 0 : index
    %get3A_14 = arith.constant 0 : index
    %get3A_15 = vector.load %arg5[%get3A_13, %get3A_14] : memref<1x256xf32, #tpu.memory_space<vmem>>, vector<1x256xf32>
    %add3A = vector.broadcast %get3A_15 : vector<1x256xf32> to vector<2000x256xf32>
    %add3A_16 = arith.addf %mul3A_12, %add3A : vector<2000x256xf32>
    %max3A = arith.constant 0.000000e+00 : f32
    %max3A_17 = vector.broadcast %max3A : f32 to vector<2000x256xf32>
    %max3A_18 = arith.maximumf %add3A_16, %max3A_17 : vector<2000x256xf32>
    %get3A_19 = arith.constant 0 : index
    %get3A_20 = arith.constant 0 : index
    %get3A_21 = vector.load %arg6[%get3A_19, %get3A_20] : memref<256x1xf32, #tpu.memory_space<vmem>>, vector<256x1xf32>
    %dot_general3A_22 = arith.constant dense<0.000000e+00> : vector<2000x1xf32>
    %dot_general3A_23 = tpu.matmul %max3A_18, %get3A_21, %dot_general3A_22 {dimension_numbers = #tpu.dot_dimension_numbers<[1], [0], [0], [1], [0, 0, 1, 1], [], []>, transpose_lhs_hint = false} : vector<2000x256xf32>, vector<256x1xf32>, vector<2000x1xf32> -> vector<2000x1xf32>
    %get3A_24 = arith.constant 0 : index
    %get3A_25 = arith.constant 0 : index
    %get3A_26 = vector.load %arg7[%get3A_24, %get3A_25] : memref<1x1xf32, #tpu.memory_space<vmem>>, vector<1x1xf32>
    %get3A_27 = vector.extract %get3A_26[0, 0] : f32 from vector<1x1xf32>
    %add3A_28 = vector.broadcast %get3A_27 : f32 to vector<2000x1xf32>
    %add3A_29 = arith.addf %dot_general3A_23, %add3A_28 : vector<2000x1xf32>
    %get3A_30 = arith.constant 0 : index
    %get3A_31 = arith.constant 0 : index
    %get3A_32 = arith.constant 0 : index
    %get3A_33 = vector.load %arg8[%get3A_30, %get3A_31, %get3A_32] : memref<1x1x2000xi32, #tpu.memory_space<vmem>>, vector<1x1x2000xi32>
    %get3A_34 = vector.shape_cast %get3A_33 : vector<1x1x2000xi32> to vector<2000xi32>
    %broadcast_in_dim3A = vector.shape_cast %get3A_34 : vector<2000xi32> to vector<2000x1xi32>
    %iota3A = tpu.iota {dimensions = array<i32: 1>} : vector<1x64xi32>
    %eq3A = vector.broadcast %broadcast_in_dim3A : vector<2000x1xi32> to vector<2000x64xi32>
    %eq3A_35 = vector.broadcast %iota3A : vector<1x64xi32> to vector<2000x64xi32>
    %eq3A_36 = arith.cmpi eq, %eq3A, %eq3A_35 : vector<2000x64xi32>
    %convert_element_type3A = arith.extui %eq3A_36 : vector<2000x64xi1> to vector<2000x64xi32>
    %convert_element_type3A_37 = arith.sitofp %convert_element_type3A : vector<2000x64xi32> to vector<2000x64xf32>
    %mul3A_38 = vector.broadcast %add3A_29 : vector<2000x1xf32> to vector<2000x64xf32>
    %mul3A_39 = arith.mulf %convert_element_type3A_37, %mul3A_38 : vector<2000x64xf32>
    %reduce_sum3A = arith.constant dense<0.000000e+00> : vector<64xf32>
    %reduce_sum3A_40 = vector.multi_reduction <add>, %mul3A_39, %reduce_sum3A [0] : vector<2000x64xf32> to vector<64xf32>
    %broadcast_in_dim3A_41 = vector.shape_cast %reduce_sum3A_40 : vector<64xf32> to vector<64x1xf32>
    %reduce_sum3A_42 = arith.constant dense<0.000000e+00> : vector<64xf32>
    %reduce_sum3A_43 = vector.multi_reduction <add>, %convert_element_type3A_37, %reduce_sum3A_42 [0] : vector<2000x64xf32> to vector<64xf32>
    %broadcast_in_dim3A_44 = vector.shape_cast %reduce_sum3A_43 : vector<64xf32> to vector<64x1xf32>
    %eq3A_45 = arith.constant 0 : i32
    %eq3A_46 = arith.cmpi eq, %arg0, %eq3A_45 : i32
    %convert_element_type3A_47 = arith.extui %eq3A_46 : i1 to i32
    %cond3A = arith.constant 0 : i32
    %cond3A_48 = arith.cmpi ne, %convert_element_type3A_47, %cond3A : i32
    scf.if %cond3A_48 {
      %broadcast_in_dim3A_67 = arith.constant 0.000000e+00 : f32
      %broadcast_in_dim3A_68 = vector.broadcast %broadcast_in_dim3A_67 : f32 to vector<64x1xf32>
      %swap3A_69 = arith.constant 0 : index
      %swap3A_70 = arith.constant 0 : index
      %swap3A_71 = vector.load %arg10[%swap3A_69, %swap3A_70] : memref<64x1xf32, #tpu.memory_space<vmem>>, vector<64x1xf32>
      tpu.vector_store %arg10[%swap3A_69, %swap3A_70], %broadcast_in_dim3A_68 {strides = array<i32>} : memref<64x1xf32, #tpu.memory_space<vmem>>, vector<64x1xf32>,
      %broadcast_in_dim3A_72 = arith.constant 0.000000e+00 : f32
      %broadcast_in_dim3A_73 = vector.broadcast %broadcast_in_dim3A_72 : f32 to vector<64x1xf32>
      %swap3A_74 = arith.constant 0 : index
      %swap3A_75 = arith.constant 0 : index
      %swap3A_76 = vector.load %arg11[%swap3A_74, %swap3A_75] : memref<64x1xf32, #tpu.memory_space<vmem>>, vector<64x1xf32>
      tpu.vector_store %arg11[%swap3A_74, %swap3A_75], %broadcast_in_dim3A_73 {strides = array<i32>} : memref<64x1xf32, #tpu.memory_space<vmem>>, vector<64x1xf32>,
    } else {
    }
    %get3A_49 = arith.constant 0 : index
    %get3A_50 = arith.constant 0 : index
    %get3A_51 = vector.load %arg10[%get3A_49, %get3A_50] : memref<64x1xf32, #tpu.memory_space<vmem>>, vector<64x1xf32>
    %add3A_52 = arith.addf %get3A_51, %broadcast_in_dim3A_41 : vector<64x1xf32>
    %swap3A = arith.constant 0 : index
    %swap3A_53 = arith.constant 0 : index
    %swap3A_54 = vector.load %arg10[%swap3A, %swap3A_53] : memref<64x1xf32, #tpu.memory_space<vmem>>, vector<64x1xf32>
    tpu.vector_store %arg10[%swap3A, %swap3A_53], %add3A_52 {strides = array<i32>} : memref<64x1xf32, #tpu.memory_space<vmem>>, vector<64x1xf32>,
    %get3A_55 = arith.constant 0 : index
    %get3A_56 = arith.constant 0 : index
    %get3A_57 = vector.load %arg11[%get3A_55, %get3A_56] : memref<64x1xf32, #tpu.memory_space<vmem>>, vector<64x1xf32>
    %add3A_58 = arith.addf %get3A_57, %broadcast_in_dim3A_44 : vector<64x1xf32>
    %swap3A_59 = arith.constant 0 : index
    %swap3A_60 = arith.constant 0 : index
    %swap3A_61 = vector.load %arg11[%swap3A_59, %swap3A_60] : memref<64x1xf32, #tpu.memory_space<vmem>>, vector<64x1xf32>
    tpu.vector_store %arg11[%swap3A_59, %swap3A_60], %add3A_58 {strides = array<i32>} : memref<64x1xf32, #tpu.memory_space<vmem>>, vector<64x1xf32>,
    %eq3A_62 = arith.constant 4 : i32
    %eq3A_63 = arith.cmpi eq, %arg0, %eq3A_62 : i32
    %convert_element_type3A_64 = arith.extui %eq3A_63 : i1 to i32
    %cond3A_65 = arith.constant 0 : i32
    %cond3A_66 = arith.cmpi ne, %convert_element_type3A_64, %cond3A_65 : i32
    scf.if %cond3A_66 {
      %get3A_67 = arith.constant 0 : index
      %get3A_68 = arith.constant 0 : index
      %get3A_69 = vector.load %arg10[%get3A_67, %get3A_68] : memref<64x1xf32, #tpu.memory_space<vmem>>, vector<64x1xf32>
      %get3A_70 = arith.constant 0 : index
      %get3A_71 = arith.constant 0 : index
      %get3A_72 = vector.load %arg11[%get3A_70, %get3A_71] : memref<64x1xf32, #tpu.memory_space<vmem>>, vector<64x1xf32>
      %max3A_73 = arith.constant 1.000000e+00 : f32
      %max3A_74 = vector.broadcast %max3A_73 : f32 to vector<64x1xf32>
      %max3A_75 = arith.maximumf %get3A_72, %max3A_74 : vector<64x1xf32>
      %div3A = arith.divf %get3A_69, %max3A_75 : vector<64x1xf32>
      %swap3A_76 = arith.constant 0 : index
      %swap3A_77 = arith.constant 0 : index
      %swap3A_78 = vector.load %arg9[%swap3A_76, %swap3A_77] : memref<64x1xf32, #tpu.memory_space<vmem>>, vector<64x1xf32>
      tpu.vector_store %arg9[%swap3A_76, %swap3A_77], %div3A {strides = array<i32>} : memref<64x1xf32, #tpu.memory_space<vmem>>, vector<64x1xf32>,
    } else {
    }
    return
  }
  func.func @transform_0(%arg0: i32) -> (i32, i32) {
    %c0_i32 = arith.constant 0 : i32
    %c0_i32_0 = arith.constant 0 : i32
    return %arg0, %c0_i32 : i32, i32
  }
  func.func @transform_1(%arg0: i32) -> (i32, i32) {
    %add3A = arith.constant 5 : i32
    %add3A_0 = arith.addi %add3A, %arg0 : i32
    %c0_i32 = arith.constant 0 : i32
    %c0_i32_1 = arith.constant 0 : i32
    return %add3A_0, %c0_i32 : i32, i32
  }
  func.func @transform_2(%arg0: i32) -> (i32, i32) {
    %c0_i32 = arith.constant 0 : i32
    %c0_i32_0 = arith.constant 0 : i32
    return %arg0, %c0_i32 : i32, i32
  }
  func.func @transform_3(%arg0: i32) -> (i32, i32) {
    %c0_i32 = arith.constant 0 : i32
    %c0_i32_0 = arith.constant 0 : i32
    %c0_i32_1 = arith.constant 0 : i32
    return %c0_i32, %c0_i32_0 : i32, i32
  }
  func.func @transform_4(%arg0: i32) -> (i32, i32) {
    %c0_i32 = arith.constant 0 : i32
    %c0_i32_0 = arith.constant 0 : i32
    %c0_i32_1 = arith.constant 0 : i32
    return %c0_i32, %c0_i32_0 : i32, i32
  }
  func.func @transform_5(%arg0: i32) -> (i32, i32) {
    %c0_i32 = arith.constant 0 : i32
    %c0_i32_0 = arith.constant 0 : i32
    %c0_i32_1 = arith.constant 0 : i32
    return %c0_i32, %c0_i32_0 : i32, i32
  }
  func.func @transform_6(%arg0: i32) -> (i32, i32) {
    %c0_i32 = arith.constant 0 : i32
    %c0_i32_0 = arith.constant 0 : i32
    %c0_i32_1 = arith.constant 0 : i32
    return %c0_i32, %c0_i32_0 : i32, i32
  }
  func.func @transform_7(%arg0: i32) -> (i32, i32, i32) {
    %c0_i32 = arith.constant 0 : i32
    %c0_i32_0 = arith.constant 0 : i32
    %c0_i32_1 = arith.constant 0 : i32
    return %arg0, %c0_i32, %c0_i32_0 : i32, i32, i32
  }
  func.func @transform_8(%arg0: i32) -> (i32, i32) {
    %c0_i32 = arith.constant 0 : i32
    %c0_i32_0 = arith.constant 0 : i32
    %c0_i32_1 = arith.constant 0 : i32
    return %c0_i32, %c0_i32_0 : i32, i32
  }
}

</mosaic_0001>

<sc_bundles>
// kernel: kernel.11.cloned.1.call-start
scs
__scs_entry_jumppad:
0x0: {  	(pc) =	sbr.rel $0x88, $3  }
0x1: {  	(tag) =	ssettag $0x0;
	lr =	simm.s32 $0x1  }
0x2: {  	[smem:$0x3F98] =	sst lr;
	_ =	strace $0xD0000000  }
0x3: {  	_ = 	snop  }
0x4: {  	_ = 	snop  }
0x5: {  	_ = 	snop  }
0x6: {  	_ = 	snop  }
0x7: {  	_ = 	snop  }
__scs_overlays_trampoline_lowered:
0x8: {  	[smem:$0x3FA7] =	sst s0  }
0x9: {  	[smem:$0x3FA8] =	sst s1  }
0xa: {  	[smem:$0x3FA9] =	sst s2  }
0xb: {  	[smem:$0x3FAA] =	sst s3  }
0xc: {  	[smem:$0x3FAB] =	sst s4  }
0xd: {  	[smem:$0x3FAC] =	sst s5  }
0xe: {  	[smem:$0x3FAD] =	sst s6  }
0xf: {  	[smem:$0x3FAE] =	sst s7  }
0x10: {  	[smem:$0x3FAF] =	sst s8  }
0x11: {  	[smem:$0x3FB0] =	sst s9;
	s0 =	simm.s32 @!p0 $0x0  }
0x12: {  	s1 =	sld [smem:$0x3F96];
	s0 =	simm.s32 @p0 $0x1  }
0x13: {  	[smem:$0x3FB1] =	sst s0;
	s0 =	simm.s32 @!p1 $0x0  }
0x14: {  	s2 =	sld [smem:$0x3F95];
	s0 =	simm.s32 @p1 $0x1  }
0x15: {  	[smem:$0x3FB2] =	sst s0;
	s0 =	simm.s32 @!p2 $0x0  }
0x16: {  	s3 =	sld [smem:$0x3FDB];
	s0 =	simm.s32 @p2 $0x1  }
0x17: {  	s4 =	simm.s32 $0x1BF5;
	[smem:$0x3FB4] =	sst s0  }
0x18: {  	s0 =	sld [smem:$0x3F97];
	_ =	swait.ge [sflag:s4], $0x0  }
0x19: {  	s7 =	sld [smem:$0x3F98]  }
0x1a: {  	s8 =	sadd.s32 $0xFFFFE003, lr  }
0x1b: {  	s9 =	sadd.s32 $0xFFFFFEF7, lr;
	s5 =	simm.s32 $0xFFFFFFFF;
	p2 =	slt.u32 s8, $0xFFFFF086  }
0x1c: {  	p1 =	slt.u32 s9, $0xF7A;
	s5 =	simm.s32 @!p2 $0x0  }
0x1d: {  	s5 =	simm.s32 @p1 $0x1;
	p0 =	seq.s32 s7, s2  }
0x1e: {  	s7 =	smul.u32 @!p0 $0xF7A, s2;
	p2 =	seq.s32 @!p0 s5, $0x0  }
0x1f: {  	s9 =	smul.u32 $0xF7A, s1;
	s8 =	simm.s32 @!p0 $0x1BF5;
	p2 =	por !p2, p0  }
0x20: {  	[sflag:s8] =	ssyncset.s32 @!p0 $0xFFFFF086;
	s6 =	sadd.s32 @!p0 s3, s7;
	s7 =	simm.s32 @!p0 $0x108  }
0x21: {  	s3 =	sadd.s32 s3, s9;
	s6 =	sadd.s32 @!p0 $0x88, s6;
	s7 =	simm.s32 @p2 $0x1082  }
0x22: {  	[simem:s7], [sflag:s8] =	dma.local @!p0 [hbm:s6], $0xF7A  }
0x23: {  	s9 =	sor.u32 $0xD0000000, s2;
	s6 =	simm.s32 $0x108;
	_ =	swait.ge @!p0 [sflag:s8], $0x0  }
0x24: {  	s3 =	sadd.s32 $0x88, s3;
	s6 =	simm.s32 @!p1 $0x1082;
	[sflag:s4] =	ssyncset.s32 $0xFFFFF086  }
0x25: {  	[simem:s6], [sflag:s4] =	dma.local [hbm:s3], $0xF7A  }
0x26: {  	[smem:$0x3F98] =	sst s1;
	(tag) =	ssettag s2;
	_ =	strace s9  }
0x27: {  	s1 =	sld [smem:$0x3FA8]  }
0x28: {  	s2 =	sld [smem:$0x3FA9]  }
0x29: {  	s4 =	sld [smem:$0x3FAB]  }
0x2a: {  	p0 =	seq.s32 s5, $0x0;
	s5 =	sld [smem:$0x3FAC]  }
0x2b: {  	s6 =	sld [smem:$0x3FAD]  }
0x2c: {  	s7 =	sld [smem:$0x3FAE]  }
0x2d: {  	s3 =	simm.s32 $0x108;
	s8 =	sld [smem:$0x3FAF]  }
0x2e: {  	s3 =	simm.s32 @!p0 $0x1082;
	s9 =	sld [smem:$0x3FB0]  }
0x2f: {  	lr =	sadd.s32 s0, s3;
	s0 =	sld [smem:$0x3FA7]  }
0x30: {  	s3 =	sld [smem:$0x3FAA]  }
0x31: {  	[smem:$0x3FB3] =	sst s10  }
0x32: {  	s10 =	sld [smem:$0x3FB1];
	_ =	sdelay $0x3  }
0x33: {  	p0 =	seq.s32 s10, $0x1;
	s10 =	sld [smem:$0x3FB3];
	_ =	sdelay $0x3  }
0x34: {  	[smem:$0x3FB3] =	sst s10  }
0x35: {  	s10 =	sld [smem:$0x3FB2];
	_ =	sdelay $0x3  }
0x36: {  	p1 =	seq.s32 s10, $0x1;
	s10 =	sld [smem:$0x3FB3];
	_ =	sdelay $0x3  }
0x37: {  	[smem:$0x3FB3] =	sst s10  }
0x38: {  	s10 =	sld [smem:$0x3FB4]  }
0x39: {  	_ = 	snop;
	(pc) =	sbr.ind lr, $3  }
0x3a: {  	_ = 	snop  }
0x3b: {  	_ = 	snop  }
0x3c: {  	p2 =	seq.s32 s10, $0x1;
	s10 =	sld [smem:$0x3FB3]  }
0x3d: {  	_ =	shalt  }
0x3e: {  	_ =	shalt  }
0x3f: {  	_ =	shalt  }
0x40: {  	_ =	shalt  }
0x41: {  	_ =	shalt  }
0x42: {  	_ =	shalt  }
0x43: {  	_ =	shalt  }
0x44: {  	_ =	shalt  }
0x45: {  	_ =	shalt  }
0x46: {  	_ =	shalt  }
0x47: {  	_ =	shalt  }
0x48: {  	_ =	shalt  }
0x49: {  	_ =	shalt  }
0x4a: {  	_ =	shalt  }
0x4b: {  	_ =	shalt  }
0x4c: {  	_ =	shalt  }
0x4d: {  	_ =	shalt  }
0x4e: {  	_ =	shalt  }
0x4f: {  	_ =	shalt  }
0x50: {  	_ =	shalt  }
0x51: {  	_ =	shalt  }
0x52: {  	_ =	shalt  }
0x53: {  	_ =	shalt  }
0x54: {  	_ =	shalt  }
0x55: {  	_ =	shalt  }
0x56: {  	_ =	shalt  }
0x57: {  	_ =	shalt  }
0x58: {  	_ =	shalt  }
0x59: {  	_ =	shalt  }
0x5a: {  	_ =	shalt  }
0x5b: {  	_ =	shalt  }
0x5c: {  	_ =	shalt  }
0x5d: {  	_ =	shalt  }
0x5e: {  	_ =	shalt  }
0x5f: {  	_ =	shalt  }
0x60: {  	_ =	shalt  }
0x61: {  	_ =	shalt  }
0x62: {  	_ =	shalt  }
0x63: {  	_ =	shalt  }
0x64: {  	_ =	shalt  }
0x65: {  	_ =	shalt  }
0x66: {  	_ =	shalt  }
0x67: {  	_ =	shalt  }
0x68: {  	_ =	shalt  }
0x69: {  	_ =	shalt  }
0x6a: {  	_ =	shalt  }
0x6b: {  	_ =	shalt  }
0x6c: {  	_ =	shalt  }
0x6d: {  	_ =	shalt  }
0x6e: {  	_ =	shalt  }
0x6f: {  	_ =	shalt  }
0x70: {  	_ =	shalt  }
0x71: {  	_ =	shalt  }
0x72: {  	_ =	shalt  }
0x73: {  	_ =	shalt  }
0x74: {  	_ =	shalt  }
0x75: {  	_ =	shalt  }
0x76: {  	_ =	shalt  }
0x77: {  	_ =	shalt  }
0x78: {  	_ =	shalt  }
0x79: {  	_ =	shalt  }
0x7a: {  	_ =	shalt  }
0x7b: {  	_ =	shalt  }
0x7c: {  	_ =	shalt  }
0x7d: {  	_ =	shalt  }
0x7e: {  	_ =	shalt  }
0x7f: {  	_ =	shalt  }
0x80: {  	_ =	shalt  }
0x81: {  	_ =	shalt  }
0x82: {  	_ =	shalt  }
0x83: {  	_ =	shalt  }
0x84: {  	_ =	shalt  }
0x85: {  	_ =	shalt  }
0x86: {  	_ =	shalt  }
0x87: {  	_ =	shalt  }
.Lfunc_end0:
.L_simem_size_0:
called_computation.1_lowered:
.L_overlay_start_0:
0x88: {  	s2 =	sld [smem:$0x3FD9]  }
0x89: {  	s3 =	sld [smem:$0x3FFE];
	_ =	sdelay $0x1  }
0x8a: {  	s1 =	srdreg.scid  }
0x8b: {  	s0 =	sand.u32 $0x1, s1  }
0x8c: {  	s16 =	sshll.u32 s0, $0xA;
	s2 =	sadd.s32 s3, s2  }
0x8d: {  	s2 =	sadd.s32 s2, s16  }
0x8e: {  	[smem:$0x3FBF] =	sst s2  }
0x8f: {  	_ = 	snop  }
0x90: {  	(tm) =	ssettm $0x1  }
0x91: {  	s17 =	sld [smem:$0x3FFB];
	_ =	sdelay $0x3  }
0x92: {  	_ =	strace s17  }
0x93: {  	s2 =	sld [smem:$0x3FFC];
	_ =	sdelay $0x3  }
0x94: {  	_ =	strace s2  }
0x95: {  	s2 =	sld [smem:$0x3FFD];
	_ =	sdelay $0x3  }
0x96: {  	_ =	strace s2  }
0x97: {  	_ =	strace $0x8FFFFFFF  }
0x98: {  	s18 =	sld [smem:$0x3FDB];
	_ =	sdelay $0x1  }
0x99: {  	s19 =	simm.s32 $_scs_section_size  }
0x9a: {  	s4 =	simm.s32 $_size__tile_overlayer_lowered;
	s5 =	simm.s32 $_tile_overlayer_lowered  }
0x9b: {  	s22 =	simm.s32 $0x1BFF;
	s21 =	sshll.u32 s5, $0x1;
	s2 =	sadd.s32 s19, s18  }
0x9c: {  	s6 =	simm.s32 $0x0;
	s20 =	sshll.u32 s4, $0x1;
	s4 =	sadd.s32 s21, s2  }
0x9d: {  	[timem:s6], [sflag:s22] =	dma.local [hbm:s4], s20  }
0x9e: {  	_ =	swait.ge [sflag:s22], s20  }
0x9f: {  	s3 =	ssub.s32 $0x0, s20;
	[sflag:s22] =	ssyncset.done $0x0  }
0xa0: {  	[sflag:s22] =	ssyncadd.s32 s3;
	_ =	sdelay $0x1  }
0xa1: {  	s23 =	simm.s32 $0x1B8B  }
0xa2: {  	_ =	swait.ge [sflag:s23], $0x1  }
0xa3: {  	[sflag:s23] =	ssyncset.done $0x0  }
0xa4: {  	s25 =	simm.s32 $0x1B8E;
	s24 =	sld [smem:$0x3FFE];
	[sflag:s23] =	ssyncadd.s32 $0xFFFFFFFF  }
0xa5: {  	s26 =	simm.s32 $execute0_lowered;
	[smem:$0x3FD2] =	sst s25  }
0xa6: {  	s4 =	sshll.u32 s26, $0x1;
	_ =	strace $0x80000049;
	[dreg:$0x1] =	wrdreg $0xFFFFFFFF  }
0xa7: {  	s28 =	simm.s32 $_size_execute0_lowered;
	s2 =	sadd.s32 s2, s4;
	[dreg:$0x0] =	wrdreg $0x0  }
0xa8: {  	s4 =	sshll.u32 s28, $0x1;
	[dreg:$0x2] =	wrdreg s2  }
0xa9: {  	[dreg:$0x3] =	wrdreg s4  }
0xaa: {  	[dreg:$0x4] =	wrdreg $0xC0  }
0xab: {  	_ =	task [dreg:s6], $0x5FFFF  }
0xac: {  	[dreg:$0x1] =	wrdreg $0xFFFFFFFF  }
0xad: {  	[dreg:$0x0] =	wrdreg $0x60  }
0xae: {  	[dreg:$0x2] =	wrdreg s24  }
0xaf: {  	[dreg:$0x3] =	wrdreg $0xA8000  }
0xb0: {  	[dreg:$0x4] =	wrdreg $0x9  }
0xb1: {  	_ =	task.clear_ibuf [dreg:s6], $0x5FFFF;
	_ =	strace $0x90000049  }
0xb2: {  	s29 =	simm.s32 $0x9;
	_ =	strace $0x8000004B  }
0xb3: {  	_ =	swait.ge [sflag:s29], $0x1  }
0xb4: {  	[sflag:s29] =	ssyncadd.s32 $0xFFFFFFFF  }
0xb5: {  	_ =	strace $0x9000004B  }
0xb6: {  	_ =	sfence  }
0xb7: {  	s30 =	sld [smem:$0x0];
	_ =	sdelay $0x2  }
0xb8: {  	s31 =	sshll.u32 s1, $0xD;
	s1 =	sshrl.u32 s1, $0x2  }
0xb9: {  	s3 =	sand.u32 $0x4000, s31;
	s1 =	sadd.s32 s1, s30  }
0xba: {  	s0 =	sor.u32 s3, s0;
	s1 =	sshll.u32 s1, $0x11  }
0xbb: {  	s0 =	sor.u32 s1, s0  }
0xbc: {  	s0 =	sadd.s32 $0x8F2B, s0  }
0xbd: {  	[sflag:s0] =	ssyncadd.remote.s32 $0x1  }
0xbe: {  	_ =	sfence.sel $0xFFFF  }
0xbf: {  	[dreg:$0x0] =	wrdreg $0xFFFFFFFF;
	(pc) =	sbr.abs _section_cstart, $3  }
0xc0: {  	[dreg:$0x1] =	wrdreg $0xFFFFFFFF  }
0xc1: {  	_ =	task.clear_ibuf [dreg:s6], $0x2FFFF;
	_ =	strace $0x9FFFFFFF  }
0xc2: {  	(tm) =	ssettm $0x7FFFFFFF  }
0xc3: {  	_ =	shalt  }
tec
execute0_lowered:
.L_overlay_start_1:
0x0: {  	(tag) =	ssettag $0x1  }
0x1: {  	s0 =	rddreg [dreg:$0x0]  }
0x2: {  	s2 =	rddreg [dreg:$0x1]  }
0x3: {  	s3 =	simm.s32 $0x0;
	s4 =	srdreg.scid;
	s1 =	stileid.u32  }
0x4: {  	s16 =	simm.s32 $0x3;
	s18 =	simm.s32 $0x1400;
	s19 =	simm.s32 $0x80  }
0x5: {  	s20 =	simm.s32 $0x2800;
	s21 =	simm.s32 $0x6800;
	s22 =	simm.s32 $0x1  }
0x6: {  	s23 =	simm.s32 $0x2;
	s28 =	simm.s32 $0x1380;
	s29 =	simm.s32 $0x2700  }
0x7: {  	s30 =	simm.s32 $0x2780;
	[smem:$0x7FF] =	sst s3;
	s11 =	sand.u32 $0x1, s4  }
0x8: {  	s7 =	smul.u32 $0x4E000, s1;
	s4 =	sadd.s32 $0xC200, s0;
	s5 =	sadd.s32 $0xA9000, s0  }
0x9: {  	s10 =	smul.u32 $0x270, s1;
	s6 =	sadd.s32 $0x2200, s0;
	s0 =	sadd.s32 $0x5A400, s0  }
0xa: {  	s17 =	sadd.s32 $0x138000, s2;
	p0 =	sne.s32 s1, $0xF;
	s8 =	smul.u32 $0x2710, s11  }
0xb: {  	s26 =	sshll.u32 s1, $0x6;
	_ =	strace $0x8000004A;
	s25 =	smul.u32 $0x138800, s11  }
0xc: {  	s9 =	ssub.s32 $0x2, s11;
	s31 =	sshll.u32 s11, $0x4;
	s11 =	smul.u32 $0xA00, s11  }
0xd: {  	s17 =	sshrl.u32 @!p0 s17, $0x3;
	s12 =	sshrl.u32 s9, $0x1;
	s7 =	sshrl.u32 s7, $0x2  }
0xe: {  	s14 =	ssub.s32 s9, s12;
	s8 =	sadd.s32 s10, s8;
	s15 =	sadd.s32 s7, s2  }
0xf: {  	s9 =	sshrl.u32 s25, $0x3;
	s10 =	sor.u32 s1, s31;
	s25 =	simm.s32 $0x1300  }
0x10: {  	s24 =	sshll.u32 s8, $0x4;
	s8 =	sor.u32 $0x1C03, s26;
	s13 =	sadd.s32 $0x27000, s9  }
0x11: {  	s9 =	smul.u32 $0x50, s10;
	s14 =	smax.u32 s14, $0x1;
	s15 =	sshrl.u32 s15, $0x3  }
0x12: {  	s26 =	simm.s32 $0x2680;
	s7 =	sadd.s32 s4, s24;
	s10 =	sadd.s32 s4, s13  }
0x13: {  	s12 =	sadd.s32 s0, s24;
	s13 =	sadd.s32 s0, s13;
	s24 =	simm.s32 $0x2600  }
.LBB2_1:
0x14: {  	[spmem:s15], [sflag:s8] =	dma.local [hbm:s7], $0x2700  }
0x15: {  	_ =	swait.ge [sflag:s16], $0x2700  }
0x16: {  	[sflag:s16] =	ssyncset.done $0x0  }
0x17: {  	s0 =	simm.s32 @!p0 $0x3;
	[sflag:s16] =	ssyncadd.s32 $0xFFFFD900  }
0x18: {  	[spmem:s17], [sflag:s8] =	dma.local @!p0 [hbm:s10], $0x100  }
0x19: {  	_ =	swait.ge @!p0 [sflag:s0], $0x100  }
0x1a: {  	[sflag:s0] =	ssyncset.done @!p0 $0x0  }
0x1b: {  	[sflag:s0] =	ssyncadd.s32 @!p0 $0xFFFFFF00  }
0x1c: {  	p2 =	por $0x1, $0x1;
	s0 =	simm.s32 $0x0;
	[bflag:$0x0] =	sbarrier.arrive $0xFFFF  }
.LBB2_2:
0x1d: {  	s0 =	sadd.s32 s9, s0  }
0x1e: {  	s31 =	sadd.s32 s11, s0  }
0x1f: {  	s31 =	sshll.u32 s31, $0x4  }
0x20: {  	s1 =	simm.s32 $0x0;
	s31 =	sadd.s32 s5, s31  }
0x21: {  	[tilespmem:s1], [sflag:$0x3] =	stream.linear.gather [hbm4b:s31+s1], $0x1400, $0x38;
	[tilespmem:$0x1E100] =	vst v63  }
0x22: {  	_ =	swait.ge [sflag:s16], $0x1400  }
0x23: {  	s0 =	sshll.u32 s0, $0x4;
	[sflag:s16] =	ssyncset.done $0x0  }
0x24: {  	s0 =	sadd.s32 s6, s0;
	[sflag:s16] =	ssyncadd.s32 $0xFFFFEC00  }
0x25: {  	[tilespmem:s18], [sflag:$0x3] =	stream.linear.gather [hbm4b:s0+s1], $0x1400, $0x38;
	[tilespmem:$0x1E100] =	vst v63  }
0x26: {  	_ =	swait.ge [sflag:s16], $0x1400  }
0x27: {  	[sflag:s16] =	ssyncset.done $0x0  }
0x28: {  	[sflag:s16] =	ssyncadd.s32 $0xFFFFEC00  }
0x29: {  	[tilespmem:s20], [sflag:$0x1] =	stream.indirect.gather [hbm4b:s4+s19], $0x80, s1, s19, $0xb8;
	[tilespmem:$0x1E100] =	vst v63  }
0x2a: {  	_ = 	snop  }
0x2b: {  	[tilespmem:s21], [sflag:$0x2] =	stream.indirect.gather [hbm4b:s4+s19], $0x80, s19, s19, $0xb8;
	[tilespmem:$0x1E100] =	vst v63  }
0x2c: {  	_ =	swait.ge [sflag:s22], $0x4000  }
0x2d: {  	[sflag:s22] =	ssyncset.done $0x0  }
0x2e: {  	s1 =	simm.s32 $0x1400;
	[sflag:s22] =	ssyncadd.s32 $0xFFFFC000  }
0x2f: {  	[spmem:s2] =	stream.indirect.scatter.add.f32 [tilespmem:s20], [sflag:$0x3], $0x80, s1, s19, $0xb8;
	[tilespmem:$0x1E100] =	vst v63  }
0x30: {  	_ =	swait.ge [sflag:s16], $0x4000  }
0x31: {  	[sflag:s16] =	ssyncset.done $0x0  }
0x32: {  	s1 =	simm.s32 $0x100;
	[sflag:s16] =	ssyncadd.s32 $0xFFFFC000  }
0x33: {  	[tilespmem:s20], [sflag:$0x1] =	stream.indirect.gather [hbm4b:s4+s19], $0x80, s1, s19, $0xb8;
	[tilespmem:$0x1E100] =	vst v63  }
0x34: {  	_ =	swait.ge [sflag:s23], $0x4000  }
0x35: {  	[sflag:s23] =	ssyncset.done $0x0  }
0x36: {  	s1 =	simm.s32 $0x1480;
	[sflag:s23] =	ssyncadd.s32 $0xFFFFC000  }
0x37: {  	[spmem:s2] =	stream.indirect.scatter.add.f32 [tilespmem:s21], [sflag:$0x3], $0x80, s1, s19, $0xb8;
	[tilespmem:$0x1E100] =	vst v63  }
0x38: {  	_ =	swait.ge [sflag:s16], $0x4000  }
0x39: {  	[sflag:s16] =	ssyncset.done $0x0  }
0x3a: {  	s1 =	simm.s32 $0x180;
	[sflag:s16] =	ssyncadd.s32 $0xFFFFC000  }
0x3b: {  	[tilespmem:s21], [sflag:$0x2] =	stream.indirect.gather [hbm4b:s4+s19], $0x80, s1, s19, $0xb8;
	[tilespmem:$0x1E100] =	vst v63  }
0x3c: {  	_ =	swait.ge [sflag:s22], $0x4000  }
0x3d: {  	[sflag:s22] =	ssyncset.done $0x0  }
0x3e: {  	s1 =	simm.s32 $0x1500;
	[sflag:s22] =	ssyncadd.s32 $0xFFFFC000  }
0x3f: {  	[spmem:s2] =	stream.indirect.scatter.add.f32 [tilespmem:s20], [sflag:$0x3], $0x80, s1, s19, $0xb8;
	[tilespmem:$0x1E100] =	vst v63  }
0x40: {  	_ =	swait.ge [sflag:s16], $0x4000  }
0x41: {  	[sflag:s16] =	ssyncset.done $0x0  }
0x42: {  	s1 =	simm.s32 $0x200;
	[sflag:s16] =	ssyncadd.s32 $0xFFFFC000  }
0x43: {  	[tilespmem:s20], [sflag:$0x1] =	stream.indirect.gather [hbm4b:s4+s19], $0x80, s1, s19, $0xb8;
	[tilespmem:$0x1E100] =	vst v63  }
0x44: {  	_ =	swait.ge [sflag:s23], $0x4000  }
0x45: {  	[sflag:s23] =	ssyncset.done $0x0  }
0x46: {  	s1 =	simm.s32 $0x1580;
	[sflag:s23] =	ssyncadd.s32 $0xFFFFC000  }
0x47: {  	[spmem:s2] =	stream.indirect.scatter.add.f32 [tilespmem:s21], [sflag:$0x3], $0x80, s1, s19, $0xb8;
	[tilespmem:$0x1E100] =	vst v63  }
0x48: {  	_ =	swait.ge [sflag:s16], $0x4000  }
0x49: {  	p1 =	por p2, p2;
	[sflag:s16] =	ssyncset.done $0x0  }
0x4a: {  	s31 =	simm.s32 $0x800;
	s0 =	simm.s32 $0x280;
	[sflag:s16] =	ssyncadd.s32 $0xFFFFC000  }
.LBB2_3:
0x4b: {  	[tilespmem:s21], [sflag:$0x2] =	stream.indirect.gather [hbm4b:s4+s19], $0x80, s0, s19, $0xb8;
	[tilespmem:$0x1E100] =	vst v63  }
0x4c: {  	s0 =	smov.u32 s31  }
0x4d: {  	p2 =	sne.s32 s31, $0x4000;
	s31 =	sadd.s32 $0x800, s31;
	_ =	swait.ge [sflag:s22], $0x4000  }
0x4e: {  	s0 =	sshra.s32 s0, $0x2;
	[sflag:s22] =	ssyncset.done $0x0  }
0x4f: {  	s1 =	sadd.s32 $0x1400, s0;
	[sflag:s22] =	ssyncadd.s32 $0xFFFFC000  }
0x50: {  	[spmem:s2] =	stream.indirect.scatter.add.f32 [tilespmem:s20], [sflag:$0x3], $0x80, s1, s19, $0xb8;
	[tilespmem:$0x1E100] =	vst v63  }
0x51: {  	_ =	swait.ge [sflag:s16], $0x4000  }
0x52: {  	[sflag:s16] =	ssyncset.done $0x0  }
0x53: {  	s1 =	sadd.s32 $0x100, s0;
	[sflag:s16] =	ssyncadd.s32 $0xFFFFC000  }
0x54: {  	[tilespmem:s20], [sflag:$0x1] =	stream.indirect.gather [hbm4b:s4+s19], $0x80, s1, s19, $0xb8;
	[tilespmem:$0x1E100] =	vst v63  }
0x55: {  	_ =	swait.ge [sflag:s23], $0x4000  }
0x56: {  	[sflag:s23] =	ssyncset.done $0x0  }
0x57: {  	s1 =	sadd.s32 $0x1480, s0;
	[sflag:s23] =	ssyncadd.s32 $0xFFFFC000  }
0x58: {  	[spmem:s2] =	stream.indirect.scatter.add.f32 [tilespmem:s21], [sflag:$0x3], $0x80, s1, s19, $0xb8;
	[tilespmem:$0x1E100] =	vst v63  }
0x59: {  	_ =	swait.ge [sflag:s16], $0x4000  }
0x5a: {  	[sflag:s16] =	ssyncset.done $0x0  }
0x5b: {  	s1 =	sadd.s32 $0x180, s0;
	[sflag:s16] =	ssyncadd.s32 $0xFFFFC000  }
0x5c: {  	[tilespmem:s21], [sflag:$0x2] =	stream.indirect.gather [hbm4b:s4+s19], $0x80, s1, s19, $0xb8;
	[tilespmem:$0x1E100] =	vst v63  }
0x5d: {  	_ =	swait.ge [sflag:s22], $0x4000  }
0x5e: {  	[sflag:s22] =	ssyncset.done $0x0  }
0x5f: {  	s1 =	sadd.s32 $0x1500, s0;
	[sflag:s22] =	ssyncadd.s32 $0xFFFFC000  }
0x60: {  	[spmem:s2] =	stream.indirect.scatter.add.f32 [tilespmem:s20], [sflag:$0x3], $0x80, s1, s19, $0xb8;
	[tilespmem:$0x1E100] =	vst v63  }
0x61: {  	_ =	swait.ge [sflag:s16], $0x4000  }
0x62: {  	[sflag:s16] =	ssyncset.done $0x0  }
0x63: {  	s1 =	sadd.s32 $0x200, s0;
	[sflag:s16] =	ssyncadd.s32 $0xFFFFC000  }
0x64: {  	[tilespmem:s20], [sflag:$0x1] =	stream.indirect.gather [hbm4b:s4+s19], $0x80, s1, s19, $0xb8;
	[tilespmem:$0x1E100] =	vst v63  }
0x65: {  	_ =	swait.ge [sflag:s23], $0x4000  }
0x66: {  	[sflag:s23] =	ssyncset.done $0x0  }
.Ltmp0:
0x67: {  	s1 =	sadd.s32 $0x1580, s0;
	[sflag:s23] =	ssyncadd.s32 $0xFFFFC000;
	(pc) =	sbr.rel @p2 .LBB2_3-.Ltmp0, $4  }
0x68: {  	[spmem:s2] =	stream.indirect.scatter.add.f32 [tilespmem:s21], [sflag:$0x3], $0x80, s1, s19, $0xb8;
	[tilespmem:$0x1E100] =	vst v63  }
0x69: {  	_ =	swait.ge [sflag:s16], $0x4000  }
0x6a: {  	[sflag:s16] =	ssyncset.done $0x0  }
0x6b: {  	s0 =	sadd.s32 $0x280, s0;
	[sflag:s16] =	ssyncadd.s32 $0xFFFFC000  }
0x6c: {  	[tilespmem:s21], [sflag:$0x2] =	stream.indirect.gather [hbm4b:s4+s19], $0x80, s0, s19, $0xb8;
	[tilespmem:$0x1E100] =	vst v63  }
0x6d: {  	_ =	swait.ge [sflag:s22], $0x4000  }
0x6e: {  	[sflag:s22] =	ssyncset.done $0x0  }
0x6f: {  	[sflag:s22] =	ssyncadd.s32 $0xFFFFC000  }
0x70: {  	[spmem:s2] =	stream.indirect.scatter.add.f32 [tilespmem:s20], [sflag:$0x3], $0x80, s24, s19, $0xb8;
	[tilespmem:$0x1E100] =	vst v63  }
0x71: {  	_ =	swait.ge [sflag:s16], $0x4000  }
0x72: {  	[sflag:s16] =	ssyncset.done $0x0  }
0x73: {  	[sflag:s16] =	ssyncadd.s32 $0xFFFFC000  }
0x74: {  	[tilespmem:s20], [sflag:$0x1] =	stream.indirect.gather [hbm4b:s4+s19], $0x80, s25, s19, $0xb8;
	[tilespmem:$0x1E100] =	vst v63  }
0x75: {  	_ =	swait.ge [sflag:s23], $0x4000  }
0x76: {  	[sflag:s23] =	ssyncset.done $0x0  }
0x77: {  	[sflag:s23] =	ssyncadd.s32 $0xFFFFC000  }
0x78: {  	[spmem:s2] =	stream.indirect.scatter.add.f32 [tilespmem:s21], [sflag:$0x3], $0x80, s26, s19, $0xb8;
	[tilespmem:$0x1E100] =	vst v63  }
0x79: {  	_ =	swait.ge [sflag:s16], $0x4000  }
0x7a: {  	[sflag:s16] =	ssyncset.done $0x0  }
0x7b: {  	[sflag:s16] =	ssyncadd.s32 $0xFFFFC000  }
0x7c: {  	[tilespmem:s21], [sflag:$0x2] =	stream.indirect.gather [hbm4b:s4+s19], $0x80, s28, s19, $0xb8;
	[tilespmem:$0x1E100] =	vst v63  }
0x7d: {  	_ =	swait.ge [sflag:s22], $0x4000  }
0x7e: {  	[sflag:s22] =	ssyncset.done $0x0  }
0x7f: {  	[sflag:s22] =	ssyncadd.s32 $0xFFFFC000  }
0x80: {  	[spmem:s2] =	stream.indirect.scatter.add.f32 [tilespmem:s20], [sflag:$0x3], $0x80, s29, s19, $0xb8;
	[tilespmem:$0x1E100] =	vst v63  }
0x81: {  	_ =	swait.ge [sflag:s16], $0x4000  }
0x82: {  	[sflag:s16] =	ssyncset.done $0x0  }
0x83: {  	[sflag:s16] =	ssyncadd.s32 $0xFFFFC000  }
0x84: {  	_ =	swait.ge [sflag:s23], $0x4000  }
0x85: {  	[sflag:s23] =	ssyncset.done $0x0  }
.Ltmp1:
0x86: {  	[sflag:s23] =	ssyncadd.s32 $0xFFFFC000;
	(pc) =	sbr.rel @p1 .LBB2_2-.Ltmp1, $4  }
0x87: {  	[spmem:s2] =	stream.indirect.scatter.add.f32 [tilespmem:s21], [sflag:$0x3], $0x80, s30, s19, $0xb8;
	[tilespmem:$0x1E100] =	vst v63  }
0x88: {  	_ =	swait.ge [sflag:s16], $0x4000  }
0x89: {  	[sflag:s16] =	ssyncset.done $0x0  }
0x8a: {  	s0 =	simm.s32 $0x28;
	p2 =	por $0x0, $0x0;
	[sflag:s16] =	ssyncadd.s32 $0xFFFFC000  }
0x8b: {  	[bflag:$0x0] =	sbarrier.arrive $0xFFFF  }
0x8c: {  	[hbm:s12], [sflag:s8] =	dma.local [spmem:s15], $0x2700  }
0x8d: {  	s3 =	sadd.s32 $0x1, s3;
	_ =	swait.ge [sflag:s16], $0x2700  }
0x8e: {  	p1 =	sne.s32 s3, s14;
	[sflag:s16] =	ssyncset.done $0x0  }
.Ltmp2:
0x8f: {  	s0 =	simm.s32 @!p0 $0x3;
	[sflag:s16] =	ssyncadd.s32 $0xFFFFD900;
	(pc) =	sbr.rel @p1 .LBB2_1-.Ltmp2, $4  }
0x90: {  	[hbm:s13], [sflag:s8] =	dma.local @!p0 [spmem:s17], $0x100  }
0x91: {  	_ =	swait.ge @!p0 [sflag:s0], $0x100  }
0x92: {  	[sflag:s0] =	ssyncset.done @!p0 $0x0  }
0x93: {  	[sflag:s0] =	ssyncadd.s32 @!p0 $0xFFFFFF00  }
0x94: {  	_ =	sfence.sel $0x180000  }
0x95: {  	[bflag:$0x0] =	sbarrier.arrive $0xFFFF  }
0x96: {  	_ =	strace $0x9000004A  }
0x97: {  	s0 =	stileid.u32;
	[bflag:$0x2] =	sbarrier.arrive $0xFFFF  }
0x98: {  	p0 =	sne.s32 s0, $0x0;
	s0 =	rddreg [dreg:$0x2]  }
0x99: {  	s0 =	sadd.s32 @!p0 $0x100000, s0  }
0x9a: {  	[sflag:s0] =	ssyncadd.tile.s32 @!p0 $0x1;
	_ =	shalt  }
.Lfunc_end2:
_tile_overlayer_lowered:
.L_overlay_start_2:
0x9b: {  	(tag) =	ssettag $0x2  }
0x9c: {  	s0 =	rddreg [dreg:$0x0];
	s2 =	stileid.u32  }
0x9d: {  	s1 =	rddreg [dreg:$0x1];
	p0 =	sne.s32 s2, $0x0  }
0x9e: {  	s3 =	rddreg [dreg:$0x2];
	[bflag:$0x3] =	sbarrier.arrive $0xFFFF;
	s2 =	simm.s32 @!p0 $0x1C03  }
0x9f: {  	[timem:s3], [sflag:s2] =	dma.local @!p0 [hbm:s0], s1  }
0xa0: {  	s0 =	simm.s32 @!p0 $0x3  }
0xa1: {  	_ =	swait.ge @!p0 [sflag:s0], s1  }
0xa2: {  	s1 =	ssub.s32 @!p0 $0x0, s1;
	[sflag:s0] =	ssyncset.done @!p0 $0x0  }
0xa3: {  	[sflag:s0] =	ssyncadd.s32 @!p0 s1  }
0xa4: {  	[bflag:$0x3] =	sbarrier.arrive $0xFFFF  }
0xa5: {  	_ =	shalt  }

// kernel: kernel.14.cloned.1.call-start
scs
__scs_entry_jumppad:
0x0: {  	(pc) =	sbr.rel $0x88, $3  }
0x1: {  	(tag) =	ssettag $0x0;
	lr =	simm.s32 $0x1  }
0x2: {  	[smem:$0x3F98] =	sst lr;
	_ =	strace $0xD0000000  }
0x3: {  	_ = 	snop  }
0x4: {  	_ = 	snop  }
0x5: {  	_ = 	snop  }
0x6: {  	_ = 	snop  }
0x7: {  	_ = 	snop  }
__scs_overlays_trampoline_lowered:
0x8: {  	[smem:$0x3FA7] =	sst s0  }
0x9: {  	[smem:$0x3FA8] =	sst s1  }
0xa: {  	[smem:$0x3FA9] =	sst s2  }
0xb: {  	[smem:$0x3FAA] =	sst s3  }
0xc: {  	[smem:$0x3FAB] =	sst s4  }
0xd: {  	[smem:$0x3FAC] =	sst s5  }
0xe: {  	[smem:$0x3FAD] =	sst s6  }
0xf: {  	[smem:$0x3FAE] =	sst s7  }
0x10: {  	[smem:$0x3FAF] =	sst s8  }
0x11: {  	[smem:$0x3FB0] =	sst s9;
	s0 =	simm.s32 @!p0 $0x0  }
0x12: {  	s1 =	sld [smem:$0x3F96];
	s0 =	simm.s32 @p0 $0x1  }
0x13: {  	[smem:$0x3FB1] =	sst s0;
	s0 =	simm.s32 @!p1 $0x0  }
0x14: {  	s2 =	sld [smem:$0x3F95];
	s0 =	simm.s32 @p1 $0x1  }
0x15: {  	[smem:$0x3FB2] =	sst s0;
	s0 =	simm.s32 @!p2 $0x0  }
0x16: {  	s3 =	sld [smem:$0x3FDB];
	s0 =	simm.s32 @p2 $0x1  }
0x17: {  	s4 =	simm.s32 $0x1BF5;
	[smem:$0x3FB4] =	sst s0  }
0x18: {  	s0 =	sld [smem:$0x3F97];
	_ =	swait.ge [sflag:s4], $0x0  }
0x19: {  	s7 =	sld [smem:$0x3F98]  }
0x1a: {  	s8 =	sadd.s32 $0xFFFFE003, lr  }
0x1b: {  	s9 =	sadd.s32 $0xFFFFFEF7, lr;
	s5 =	simm.s32 $0xFFFFFFFF;
	p2 =	slt.u32 s8, $0xFFFFF086  }
0x1c: {  	p1 =	slt.u32 s9, $0xF7A;
	s5 =	simm.s32 @!p2 $0x0  }
0x1d: {  	s5 =	simm.s32 @p1 $0x1;
	p0 =	seq.s32 s7, s2  }
0x1e: {  	s7 =	smul.u32 @!p0 $0xF7A, s2;
	p2 =	seq.s32 @!p0 s5, $0x0  }
0x1f: {  	s9 =	smul.u32 $0xF7A, s1;
	s8 =	simm.s32 @!p0 $0x1BF5;
	p2 =	por !p2, p0  }
0x20: {  	[sflag:s8] =	ssyncset.s32 @!p0 $0xFFFFF086;
	s6 =	sadd.s32 @!p0 s3, s7;
	s7 =	simm.s32 @!p0 $0x108  }
0x21: {  	s3 =	sadd.s32 s3, s9;
	s6 =	sadd.s32 @!p0 $0x88, s6;
	s7 =	simm.s32 @p2 $0x1082  }
0x22: {  	[simem:s7], [sflag:s8] =	dma.local @!p0 [hbm:s6], $0xF7A  }
0x23: {  	s9 =	sor.u32 $0xD0000000, s2;
	s6 =	simm.s32 $0x108;
	_ =	swait.ge @!p0 [sflag:s8], $0x0  }
0x24: {  	s3 =	sadd.s32 $0x88, s3;
	s6 =	simm.s32 @!p1 $0x1082;
	[sflag:s4] =	ssyncset.s32 $0xFFFFF086  }
0x25: {  	[simem:s6], [sflag:s4] =	dma.local [hbm:s3], $0xF7A  }
0x26: {  	[smem:$0x3F98] =	sst s1;
	(tag) =	ssettag s2;
	_ =	strace s9  }
0x27: {  	s1 =	sld [smem:$0x3FA8]  }
0x28: {  	s2 =	sld [smem:$0x3FA9]  }
0x29: {  	s4 =	sld [smem:$0x3FAB]  }
0x2a: {  	p0 =	seq.s32 s5, $0x0;
	s5 =	sld [smem:$0x3FAC]  }
0x2b: {  	s6 =	sld [smem:$0x3FAD]  }
0x2c: {  	s7 =	sld [smem:$0x3FAE]  }
0x2d: {  	s3 =	simm.s32 $0x108;
	s8 =	sld [smem:$0x3FAF]  }
0x2e: {  	s3 =	simm.s32 @!p0 $0x1082;
	s9 =	sld [smem:$0x3FB0]  }
0x2f: {  	lr =	sadd.s32 s0, s3;
	s0 =	sld [smem:$0x3FA7]  }
0x30: {  	s3 =	sld [smem:$0x3FAA]  }
0x31: {  	[smem:$0x3FB3] =	sst s10  }
0x32: {  	s10 =	sld [smem:$0x3FB1];
	_ =	sdelay $0x3  }
0x33: {  	p0 =	seq.s32 s10, $0x1;
	s10 =	sld [smem:$0x3FB3];
	_ =	sdelay $0x3  }
0x34: {  	[smem:$0x3FB3] =	sst s10  }
0x35: {  	s10 =	sld [smem:$0x3FB2];
	_ =	sdelay $0x3  }
0x36: {  	p1 =	seq.s32 s10, $0x1;
	s10 =	sld [smem:$0x3FB3];
	_ =	sdelay $0x3  }
0x37: {  	[smem:$0x3FB3] =	sst s10  }
0x38: {  	s10 =	sld [smem:$0x3FB4]  }
0x39: {  	_ = 	snop;
	(pc) =	sbr.ind lr, $3  }
0x3a: {  	_ = 	snop  }
0x3b: {  	_ = 	snop  }
0x3c: {  	p2 =	seq.s32 s10, $0x1;
	s10 =	sld [smem:$0x3FB3]  }
0x3d: {  	_ =	shalt  }
0x3e: {  	_ =	shalt  }
0x3f: {  	_ =	shalt  }
0x40: {  	_ =	shalt  }
0x41: {  	_ =	shalt  }
0x42: {  	_ =	shalt  }
0x43: {  	_ =	shalt  }
0x44: {  	_ =	shalt  }
0x45: {  	_ =	shalt  }
0x46: {  	_ =	shalt  }
0x47: {  	_ =	shalt  }
0x48: {  	_ =	shalt  }
0x49: {  	_ =	shalt  }
0x4a: {  	_ =	shalt  }
0x4b: {  	_ =	shalt  }
0x4c: {  	_ =	shalt  }
0x4d: {  	_ =	shalt  }
0x4e: {  	_ =	shalt  }
0x4f: {  	_ =	shalt  }
0x50: {  	_ =	shalt  }
0x51: {  	_ =	shalt  }
0x52: {  	_ =	shalt  }
0x53: {  	_ =	shalt  }
0x54: {  	_ =	shalt  }
0x55: {  	_ =	shalt  }
0x56: {  	_ =	shalt  }
0x57: {  	_ =	shalt  }
0x58: {  	_ =	shalt  }
0x59: {  	_ =	shalt  }
0x5a: {  	_ =	shalt  }
0x5b: {  	_ =	shalt  }
0x5c: {  	_ =	shalt  }
0x5d: {  	_ =	shalt  }
0x5e: {  	_ =	shalt  }
0x5f: {  	_ =	shalt  }
0x60: {  	_ =	shalt  }
0x61: {  	_ =	shalt  }
0x62: {  	_ =	shalt  }
0x63: {  	_ =	shalt  }
0x64: {  	_ =	shalt  }
0x65: {  	_ =	shalt  }
0x66: {  	_ =	shalt  }
0x67: {  	_ =	shalt  }
0x68: {  	_ =	shalt  }
0x69: {  	_ =	shalt  }
0x6a: {  	_ =	shalt  }
0x6b: {  	_ =	shalt  }
0x6c: {  	_ =	shalt  }
0x6d: {  	_ =	shalt  }
0x6e: {  	_ =	shalt  }
0x6f: {  	_ =	shalt  }
0x70: {  	_ =	shalt  }
0x71: {  	_ =	shalt  }
0x72: {  	_ =	shalt  }
0x73: {  	_ =	shalt  }
0x74: {  	_ =	shalt  }
0x75: {  	_ =	shalt  }
0x76: {  	_ =	shalt  }
0x77: {  	_ =	shalt  }
0x78: {  	_ =	shalt  }
0x79: {  	_ =	shalt  }
0x7a: {  	_ =	shalt  }
0x7b: {  	_ =	shalt  }
0x7c: {  	_ =	shalt  }
0x7d: {  	_ =	shalt  }
0x7e: {  	_ =	shalt  }
0x7f: {  	_ =	shalt  }
0x80: {  	_ =	shalt  }
0x81: {  	_ =	shalt  }
0x82: {  	_ =	shalt  }
0x83: {  	_ =	shalt  }
0x84: {  	_ =	shalt  }
0x85: {  	_ =	shalt  }
0x86: {  	_ =	shalt  }
0x87: {  	_ =	shalt  }
.Lfunc_end0:
.L_simem_size_0:
called_computation.2_lowered:
.L_overlay_start_0:
0x88: {  	s2 =	sld [smem:$0x3FD9]  }
0x89: {  	s3 =	sld [smem:$0x3FFE];
	_ =	sdelay $0x1  }
0x8a: {  	s1 =	srdreg.scid  }
0x8b: {  	s0 =	sand.u32 $0x1, s1  }
0x8c: {  	s16 =	sshll.u32 s0, $0xA;
	s2 =	sadd.s32 s3, s2  }
0x8d: {  	s2 =	sadd.s32 s2, s16  }
0x8e: {  	[smem:$0x3FBF] =	sst s2  }
0x8f: {  	_ = 	snop  }
0x90: {  	(tm) =	ssettm $0x1  }
0x91: {  	s17 =	sld [smem:$0x3FFB];
	_ =	sdelay $0x3  }
0x92: {  	_ =	strace s17  }
0x93: {  	s2 =	sld [smem:$0x3FFC];
	_ =	sdelay $0x3  }
0x94: {  	_ =	strace s2  }
0x95: {  	s2 =	sld [smem:$0x3FFD];
	_ =	sdelay $0x3  }
0x96: {  	_ =	strace s2  }
0x97: {  	_ =	strace $0x8FFFFFFF  }
0x98: {  	s18 =	sld [smem:$0x3FDB];
	_ =	sdelay $0x1  }
0x99: {  	s19 =	simm.s32 $_scs_section_size  }
0x9a: {  	s4 =	simm.s32 $_size__tile_overlayer_lowered;
	s5 =	simm.s32 $_tile_overlayer_lowered  }
0x9b: {  	s22 =	simm.s32 $0x1BFF;
	s21 =	sshll.u32 s5, $0x1;
	s2 =	sadd.s32 s19, s18  }
0x9c: {  	s6 =	simm.s32 $0x0;
	s20 =	sshll.u32 s4, $0x1;
	s4 =	sadd.s32 s21, s2  }
0x9d: {  	[timem:s6], [sflag:s22] =	dma.local [hbm:s4], s20  }
0x9e: {  	_ =	swait.ge [sflag:s22], s20  }
0x9f: {  	s3 =	ssub.s32 $0x0, s20;
	[sflag:s22] =	ssyncset.done $0x0  }
0xa0: {  	[sflag:s22] =	ssyncadd.s32 s3;
	_ =	sdelay $0x1  }
0xa1: {  	s23 =	simm.s32 $0x1B8B  }
0xa2: {  	_ =	swait.ge [sflag:s23], $0x1  }
0xa3: {  	[sflag:s23] =	ssyncset.done $0x0  }
0xa4: {  	s25 =	simm.s32 $0x1B8E;
	s24 =	sld [smem:$0x3FFE];
	[sflag:s23] =	ssyncadd.s32 $0xFFFFFFFF  }
0xa5: {  	s26 =	simm.s32 $execute0_lowered;
	[smem:$0x3FD2] =	sst s25  }
0xa6: {  	s4 =	sshll.u32 s26, $0x1;
	_ =	strace $0x8000004C;
	[dreg:$0x1] =	wrdreg $0xFFFFFFFF  }
0xa7: {  	s28 =	simm.s32 $_size_execute0_lowered;
	s2 =	sadd.s32 s2, s4;
	[dreg:$0x0] =	wrdreg $0x0  }
0xa8: {  	s4 =	sshll.u32 s28, $0x1;
	[dreg:$0x2] =	wrdreg s2  }
0xa9: {  	[dreg:$0x3] =	wrdreg s4  }
0xaa: {  	[dreg:$0x4] =	wrdreg $0xC0  }
0xab: {  	_ =	task [dreg:s6], $0x5FFFF  }
0xac: {  	[dreg:$0x1] =	wrdreg $0xFFFFFFFF  }
0xad: {  	[dreg:$0x0] =	wrdreg $0x60  }
0xae: {  	[dreg:$0x2] =	wrdreg s24  }
0xaf: {  	[dreg:$0x3] =	wrdreg $0xA8000  }
0xb0: {  	[dreg:$0x4] =	wrdreg $0x9  }
0xb1: {  	_ =	task.clear_ibuf [dreg:s6], $0x5FFFF;
	_ =	strace $0x9000004C  }
0xb2: {  	s29 =	simm.s32 $0x9;
	_ =	strace $0x8000004E  }
0xb3: {  	_ =	swait.ge [sflag:s29], $0x1  }
0xb4: {  	[sflag:s29] =	ssyncadd.s32 $0xFFFFFFFF  }
0xb5: {  	_ =	strace $0x9000004E  }
0xb6: {  	_ =	sfence  }
0xb7: {  	s30 =	sld [smem:$0x0];
	_ =	sdelay $0x2  }
0xb8: {  	s31 =	sshll.u32 s1, $0xD;
	s1 =	sshrl.u32 s1, $0x2  }
0xb9: {  	s3 =	sand.u32 $0x4000, s31;
	s1 =	sadd.s32 s1, s30  }
0xba: {  	s0 =	sor.u32 s3, s0;
	s1 =	sshll.u32 s1, $0x11  }
0xbb: {  	s0 =	sor.u32 s1, s0  }
0xbc: {  	s0 =	sadd.s32 $0x8F2B, s0  }
0xbd: {  	[sflag:s0] =	ssyncadd.remote.s32 $0x1  }
0xbe: {  	_ =	sfence.sel $0xFFFF  }
0xbf: {  	[dreg:$0x0] =	wrdreg $0xFFFFFFFF;
	(pc) =	sbr.abs _section_cstart, $3  }
0xc0: {  	[dreg:$0x1] =	wrdreg $0xFFFFFFFF  }
0xc1: {  	_ =	task.clear_ibuf [dreg:s6], $0x2FFFF;
	_ =	strace $0x9FFFFFFF  }
0xc2: {  	(tm) =	ssettm $0x7FFFFFFF  }
0xc3: {  	_ =	shalt  }
tec
execute0_lowered:
.L_overlay_start_1:
0x0: {  	(tag) =	ssettag $0x1  }
0x1: {  	s0 =	rddreg [dreg:$0x0]  }
0x2: {  	s1 =	rddreg [dreg:$0x1];
	s3 =	simm.s32 $0x0;
	s2 =	srdreg.scid  }
0x3: {  	s16 =	stileid.u32;
	s18 =	simm.s32 $0x1400;
	s19 =	simm.s32 $0x80  }
0x4: {  	s20 =	simm.s32 $0x2800;
	s21 =	simm.s32 $0x6800;
	s22 =	simm.s32 $0x1  }
0x5: {  	s23 =	simm.s32 $0x2;
	s28 =	simm.s32 $0x1380;
	s29 =	simm.s32 $0x2700  }
0x6: {  	s30 =	simm.s32 $0x2780;
	[smem:$0x7FF] =	sst s3;
	s2 =	sand.u32 $0x1, s2  }
0x7: {  	s7 =	smul.u32 $0x4E000, s16;
	s4 =	sadd.s32 $0xC200, s0;
	s5 =	sadd.s32 $0xA9000, s0  }
0x8: {  	s11 =	smul.u32 $0x270, s16;
	s6 =	sadd.s32 $0x2200, s0;
	s0 =	sadd.s32 $0x5A400, s0  }
0x9: {  	s26 =	sshll.u32 s16, $0x6;
	s17 =	sadd.s32 $0x138000, s1;
	p0 =	sne.s32 s16, $0xF  }
0xa: {  	_ =	strace $0x8000004D;
	s8 =	ssub.s32 $0x2, s2;
	s9 =	smul.u32 $0x2710, s2  }
0xb: {  	s25 =	smul.u32 $0x138800, s2;
	s17 =	sshrl.u32 @!p0 s17, $0x3;
	s10 =	sshrl.u32 s8, $0x1  }
0xc: {  	s7 =	sshrl.u32 s7, $0x2;
	s14 =	ssub.s32 s8, s10;
	s24 =	sadd.s32 s11, s9  }
0xd: {  	s15 =	sadd.s32 s7, s1;
	s8 =	sor.u32 $0x1C03, s26;
	s9 =	sshrl.u32 s25, $0x3  }
0xe: {  	s11 =	smul.u32 $0xA00, s2;
	s25 =	simm.s32 $0x1300;
	s26 =	simm.s32 $0x2680  }
0xf: {  	s12 =	sshll.u32 s24, $0x4;
	s13 =	sadd.s32 $0x27000, s9;
	s9 =	smul.u32 $0xA0, s16  }
0x10: {  	s14 =	smax.u32 s14, $0x1;
	s15 =	sshrl.u32 s15, $0x3;
	s16 =	simm.s32 $0x3  }
0x11: {  	s24 =	simm.s32 $0x2600;
	s31 =	sadd.s32 s4, s12;
	s10 =	sadd.s32 s4, s13  }
0x12: {  	s12 =	sadd.s32 s0, s12;
	s13 =	sadd.s32 s0, s13;
	[dreg:$0x3] =	wrdreg s31  }
.LBB2_1:
0x13: {  	s0 =	rddreg [dreg:$0x3]  }
0x14: {  	[spmem:s15], [sflag:s8] =	dma.local [hbm:s0], $0x2700  }
0x15: {  	_ =	swait.ge [sflag:s16], $0x2700  }
0x16: {  	[sflag:s16] =	ssyncset.done $0x0  }
0x17: {  	s0 =	simm.s32 @!p0 $0x3;
	[sflag:s16] =	ssyncadd.s32 $0xFFFFD900  }
0x18: {  	[spmem:s17], [sflag:s8] =	dma.local @!p0 [hbm:s10], $0x100  }
0x19: {  	_ =	swait.ge @!p0 [sflag:s0], $0x100  }
0x1a: {  	[sflag:s0] =	ssyncset.done @!p0 $0x0  }
0x1b: {  	[sflag:s0] =	ssyncadd.s32 @!p0 $0xFFFFFF00  }
0x1c: {  	s31 =	simm.s32 $0x0;
	[bflag:$0x0] =	sbarrier.arrive $0xFFFF  }
.LBB2_2:
0x1d: {  	s0 =	smul.u32 $0x28, s31;
	_ =	sdelay $0x1  }
0x1e: {  	s0 =	sadd.s32 s9, s0  }
0x1f: {  	s2 =	sadd.s32 s11, s0  }
0x20: {  	s2 =	sshll.u32 s2, $0x4  }
0x21: {  	s7 =	simm.s32 $0x0;
	s2 =	sadd.s32 s5, s2  }
0x22: {  	[tilespmem:s7], [sflag:$0x3] =	stream.linear.gather [hbm4b:s2+s7], $0x1400, $0x38;
	[tilespmem:$0x1E100] =	vst v63  }
0x23: {  	_ =	swait.ge [sflag:s16], $0x1400  }
0x24: {  	s0 =	sshll.u32 s0, $0x4;
	[sflag:s16] =	ssyncset.done $0x0  }
0x25: {  	s0 =	sadd.s32 s6, s0;
	[sflag:s16] =	ssyncadd.s32 $0xFFFFEC00  }
0x26: {  	[tilespmem:s18], [sflag:$0x3] =	stream.linear.gather [hbm4b:s0+s7], $0x1400, $0x38;
	[tilespmem:$0x1E100] =	vst v63  }
0x27: {  	_ =	swait.ge [sflag:s16], $0x1400  }
0x28: {  	[sflag:s16] =	ssyncset.done $0x0  }
0x29: {  	[sflag:s16] =	ssyncadd.s32 $0xFFFFEC00  }
0x2a: {  	[tilespmem:s20], [sflag:$0x1] =	stream.indirect.gather [hbm4b:s4+s19], $0x80, s7, s19, $0xb8;
	[tilespmem:$0x1E100] =	vst v63  }
0x2b: {  	_ = 	snop  }
0x2c: {  	[tilespmem:s21], [sflag:$0x2] =	stream.indirect.gather [hbm4b:s4+s19], $0x80, s19, s19, $0xb8;
	[tilespmem:$0x1E100] =	vst v63  }
0x2d: {  	_ =	swait.ge [sflag:s22], $0x4000  }
0x2e: {  	[sflag:s22] =	ssyncset.done $0x0  }
0x2f: {  	s7 =	simm.s32 $0x1400;
	[sflag:s22] =	ssyncadd.s32 $0xFFFFC000  }
0x30: {  	[spmem:s1] =	stream.indirect.scatter.add.f32 [tilespmem:s20], [sflag:$0x3], $0x80, s7, s19, $0xb8;
	[tilespmem:$0x1E100] =	vst v63  }
0x31: {  	_ =	swait.ge [sflag:s16], $0x4000  }
0x32: {  	[sflag:s16] =	ssyncset.done $0x0  }
0x33: {  	s2 =	simm.s32 $0x100;
	[sflag:s16] =	ssyncadd.s32 $0xFFFFC000  }
0x34: {  	[tilespmem:s20], [sflag:$0x1] =	stream.indirect.gather [hbm4b:s4+s19], $0x80, s2, s19, $0xb8;
	[tilespmem:$0x1E100] =	vst v63  }
0x35: {  	_ =	swait.ge [sflag:s23], $0x4000  }
0x36: {  	[sflag:s23] =	ssyncset.done $0x0  }
0x37: {  	s7 =	simm.s32 $0x1480;
	[sflag:s23] =	ssyncadd.s32 $0xFFFFC000  }
0x38: {  	[spmem:s1] =	stream.indirect.scatter.add.f32 [tilespmem:s21], [sflag:$0x3], $0x80, s7, s19, $0xb8;
	[tilespmem:$0x1E100] =	vst v63  }
0x39: {  	_ =	swait.ge [sflag:s16], $0x4000  }
0x3a: {  	[sflag:s16] =	ssyncset.done $0x0  }
0x3b: {  	s2 =	simm.s32 $0x180;
	[sflag:s16] =	ssyncadd.s32 $0xFFFFC000  }
0x3c: {  	[tilespmem:s21], [sflag:$0x2] =	stream.indirect.gather [hbm4b:s4+s19], $0x80, s2, s19, $0xb8;
	[tilespmem:$0x1E100] =	vst v63  }
0x3d: {  	_ =	swait.ge [sflag:s22], $0x4000  }
0x3e: {  	[sflag:s22] =	ssyncset.done $0x0  }
0x3f: {  	s7 =	simm.s32 $0x1500;
	[sflag:s22] =	ssyncadd.s32 $0xFFFFC000  }
0x40: {  	[spmem:s1] =	stream.indirect.scatter.add.f32 [tilespmem:s20], [sflag:$0x3], $0x80, s7, s19, $0xb8;
	[tilespmem:$0x1E100] =	vst v63  }
0x41: {  	_ =	swait.ge [sflag:s16], $0x4000  }
0x42: {  	[sflag:s16] =	ssyncset.done $0x0  }
0x43: {  	s2 =	simm.s32 $0x200;
	[sflag:s16] =	ssyncadd.s32 $0xFFFFC000  }
0x44: {  	[tilespmem:s20], [sflag:$0x1] =	stream.indirect.gather [hbm4b:s4+s19], $0x80, s2, s19, $0xb8;
	[tilespmem:$0x1E100] =	vst v63  }
0x45: {  	_ =	swait.ge [sflag:s23], $0x4000  }
0x46: {  	[sflag:s23] =	ssyncset.done $0x0  }
0x47: {  	s7 =	simm.s32 $0x1580;
	[sflag:s23] =	ssyncadd.s32 $0xFFFFC000  }
0x48: {  	[spmem:s1] =	stream.indirect.scatter.add.f32 [tilespmem:s21], [sflag:$0x3], $0x80, s7, s19, $0xb8;
	[tilespmem:$0x1E100] =	vst v63  }
0x49: {  	_ =	swait.ge [sflag:s16], $0x4000  }
0x4a: {  	[sflag:s16] =	ssyncset.done $0x0  }
0x4b: {  	s0 =	simm.s32 $0x800;
	s2 =	simm.s32 $0x280;
	[sflag:s16] =	ssyncadd.s32 $0xFFFFC000  }
.LBB2_3:
0x4c: {  	[tilespmem:s21], [sflag:$0x2] =	stream.indirect.gather [hbm4b:s4+s19], $0x80, s2, s19, $0xb8;
	[tilespmem:$0x1E100] =	vst v63  }
0x4d: {  	s2 =	smov.u32 s0  }
0x4e: {  	p1 =	sne.s32 s0, $0x4000;
	s0 =	sadd.s32 $0x800, s0;
	_ =	swait.ge [sflag:s22], $0x4000  }
0x4f: {  	s2 =	sshra.s32 s2, $0x2;
	[sflag:s22] =	ssyncset.done $0x0  }
0x50: {  	s7 =	sadd.s32 $0x1400, s2;
	[sflag:s22] =	ssyncadd.s32 $0xFFFFC000  }
0x51: {  	[spmem:s1] =	stream.indirect.scatter.add.f32 [tilespmem:s20], [sflag:$0x3], $0x80, s7, s19, $0xb8;
	[tilespmem:$0x1E100] =	vst v63  }
0x52: {  	_ =	swait.ge [sflag:s16], $0x4000  }
0x53: {  	[sflag:s16] =	ssyncset.done $0x0  }
0x54: {  	s7 =	sadd.s32 $0x100, s2;
	[sflag:s16] =	ssyncadd.s32 $0xFFFFC000  }
0x55: {  	[tilespmem:s20], [sflag:$0x1] =	stream.indirect.gather [hbm4b:s4+s19], $0x80, s7, s19, $0xb8;
	[tilespmem:$0x1E100] =	vst v63  }
0x56: {  	_ =	swait.ge [sflag:s23], $0x4000  }
0x57: {  	[sflag:s23] =	ssyncset.done $0x0  }
0x58: {  	s7 =	sadd.s32 $0x1480, s2;
	[sflag:s23] =	ssyncadd.s32 $0xFFFFC000  }
0x59: {  	[spmem:s1] =	stream.indirect.scatter.add.f32 [tilespmem:s21], [sflag:$0x3], $0x80, s7, s19, $0xb8;
	[tilespmem:$0x1E100] =	vst v63  }
0x5a: {  	_ =	swait.ge [sflag:s16], $0x4000  }
0x5b: {  	[sflag:s16] =	ssyncset.done $0x0  }
0x5c: {  	s7 =	sadd.s32 $0x180, s2;
	[sflag:s16] =	ssyncadd.s32 $0xFFFFC000  }
0x5d: {  	[tilespmem:s21], [sflag:$0x2] =	stream.indirect.gather [hbm4b:s4+s19], $0x80, s7, s19, $0xb8;
	[tilespmem:$0x1E100] =	vst v63  }
0x5e: {  	_ =	swait.ge [sflag:s22], $0x4000  }
0x5f: {  	[sflag:s22] =	ssyncset.done $0x0  }
0x60: {  	s7 =	sadd.s32 $0x1500, s2;
	[sflag:s22] =	ssyncadd.s32 $0xFFFFC000  }
0x61: {  	[spmem:s1] =	stream.indirect.scatter.add.f32 [tilespmem:s20], [sflag:$0x3], $0x80, s7, s19, $0xb8;
	[tilespmem:$0x1E100] =	vst v63  }
0x62: {  	_ =	swait.ge [sflag:s16], $0x4000  }
0x63: {  	[sflag:s16] =	ssyncset.done $0x0  }
0x64: {  	s7 =	sadd.s32 $0x200, s2;
	[sflag:s16] =	ssyncadd.s32 $0xFFFFC000  }
0x65: {  	[tilespmem:s20], [sflag:$0x1] =	stream.indirect.gather [hbm4b:s4+s19], $0x80, s7, s19, $0xb8;
	[tilespmem:$0x1E100] =	vst v63  }
0x66: {  	_ =	swait.ge [sflag:s23], $0x4000  }
0x67: {  	[sflag:s23] =	ssyncset.done $0x0  }
.Ltmp0:
0x68: {  	s7 =	sadd.s32 $0x1580, s2;
	[sflag:s23] =	ssyncadd.s32 $0xFFFFC000;
	(pc) =	sbr.rel @p1 .LBB2_3-.Ltmp0, $4  }
0x69: {  	[spmem:s1] =	stream.indirect.scatter.add.f32 [tilespmem:s21], [sflag:$0x3], $0x80, s7, s19, $0xb8;
	[tilespmem:$0x1E100] =	vst v63  }
0x6a: {  	_ =	swait.ge [sflag:s16], $0x4000  }
0x6b: {  	[sflag:s16] =	ssyncset.done $0x0  }
0x6c: {  	s2 =	sadd.s32 $0x280, s2;
	[sflag:s16] =	ssyncadd.s32 $0xFFFFC000  }
0x6d: {  	[tilespmem:s21], [sflag:$0x2] =	stream.indirect.gather [hbm4b:s4+s19], $0x80, s2, s19, $0xb8;
	[tilespmem:$0x1E100] =	vst v63  }
0x6e: {  	_ =	swait.ge [sflag:s22], $0x4000  }
0x6f: {  	[sflag:s22] =	ssyncset.done $0x0  }
0x70: {  	[sflag:s22] =	ssyncadd.s32 $0xFFFFC000  }
0x71: {  	[spmem:s1] =	stream.indirect.scatter.add.f32 [tilespmem:s20], [sflag:$0x3], $0x80, s24, s19, $0xb8;
	[tilespmem:$0x1E100] =	vst v63  }
0x72: {  	_ =	swait.ge [sflag:s16], $0x4000  }
0x73: {  	[sflag:s16] =	ssyncset.done $0x0  }
0x74: {  	[sflag:s16] =	ssyncadd.s32 $0xFFFFC000  }
0x75: {  	[tilespmem:s20], [sflag:$0x1] =	stream.indirect.gather [hbm4b:s4+s19], $0x80, s25, s19, $0xb8;
	[tilespmem:$0x1E100] =	vst v63  }
0x76: {  	_ =	swait.ge [sflag:s23], $0x4000  }
0x77: {  	[sflag:s23] =	ssyncset.done $0x0  }
0x78: {  	[sflag:s23] =	ssyncadd.s32 $0xFFFFC000  }
0x79: {  	[spmem:s1] =	stream.indirect.scatter.add.f32 [tilespmem:s21], [sflag:$0x3], $0x80, s26, s19, $0xb8;
	[tilespmem:$0x1E100] =	vst v63  }
0x7a: {  	_ =	swait.ge [sflag:s16], $0x4000  }
0x7b: {  	[sflag:s16] =	ssyncset.done $0x0  }
0x7c: {  	[sflag:s16] =	ssyncadd.s32 $0xFFFFC000  }
0x7d: {  	[tilespmem:s21], [sflag:$0x2] =	stream.indirect.gather [hbm4b:s4+s19], $0x80, s28, s19, $0xb8;
	[tilespmem:$0x1E100] =	vst v63  }
0x7e: {  	_ =	swait.ge [sflag:s22], $0x4000  }
0x7f: {  	[sflag:s22] =	ssyncset.done $0x0  }
0x80: {  	[sflag:s22] =	ssyncadd.s32 $0xFFFFC000  }
0x81: {  	[spmem:s1] =	stream.indirect.scatter.add.f32 [tilespmem:s20], [sflag:$0x3], $0x80, s29, s19, $0xb8;
	[tilespmem:$0x1E100] =	vst v63  }
0x82: {  	_ =	swait.ge [sflag:s16], $0x4000  }
0x83: {  	[sflag:s16] =	ssyncset.done $0x0  }
0x84: {  	[sflag:s16] =	ssyncadd.s32 $0xFFFFC000  }
0x85: {  	s31 =	sadd.s32 $0x1, s31;
	_ =	swait.ge [sflag:s23], $0x4000  }
0x86: {  	p1 =	sne.s32 s31, $0x4;
	[sflag:s23] =	ssyncset.done $0x0  }
.Ltmp1:
0x87: {  	[sflag:s23] =	ssyncadd.s32 $0xFFFFC000;
	(pc) =	sbr.rel @p1 .LBB2_2-.Ltmp1, $4  }
0x88: {  	[spmem:s1] =	stream.indirect.scatter.add.f32 [tilespmem:s21], [sflag:$0x3], $0x80, s30, s19, $0xb8;
	[tilespmem:$0x1E100] =	vst v63  }
0x89: {  	_ =	swait.ge [sflag:s16], $0x4000  }
0x8a: {  	[sflag:s16] =	ssyncset.done $0x0  }
0x8b: {  	[sflag:s16] =	ssyncadd.s32 $0xFFFFC000  }
0x8c: {  	[bflag:$0x0] =	sbarrier.arrive $0xFFFF  }
0x8d: {  	[hbm:s12], [sflag:s8] =	dma.local [spmem:s15], $0x2700  }
0x8e: {  	s3 =	sadd.s32 $0x1, s3;
	_ =	swait.ge [sflag:s16], $0x2700  }
0x8f: {  	p1 =	sne.s32 s3, s14;
	[sflag:s16] =	ssyncset.done $0x0  }
.Ltmp2:
0x90: {  	s0 =	simm.s32 @!p0 $0x3;
	[sflag:s16] =	ssyncadd.s32 $0xFFFFD900;
	(pc) =	sbr.rel @p1 .LBB2_1-.Ltmp2, $4  }
0x91: {  	[hbm:s13], [sflag:s8] =	dma.local @!p0 [spmem:s17], $0x100  }
0x92: {  	_ =	swait.ge @!p0 [sflag:s0], $0x100  }
0x93: {  	[sflag:s0] =	ssyncset.done @!p0 $0x0  }
0x94: {  	[sflag:s0] =	ssyncadd.s32 @!p0 $0xFFFFFF00  }
0x95: {  	_ =	sfence.sel $0x180000  }
0x96: {  	[bflag:$0x0] =	sbarrier.arrive $0xFFFF  }
0x97: {  	_ =	strace $0x9000004D  }
0x98: {  	s0 =	stileid.u32;
	[bflag:$0x2] =	sbarrier.arrive $0xFFFF  }
0x99: {  	p0 =	sne.s32 s0, $0x0;
	s0 =	rddreg [dreg:$0x2]  }
0x9a: {  	s0 =	sadd.s32 @!p0 $0x100000, s0  }
0x9b: {  	[sflag:s0] =	ssyncadd.tile.s32 @!p0 $0x1;
	_ =	shalt  }
.Lfunc_end2:
_tile_overlayer_lowered:
.L_overlay_start_2:
0x9c: {  	(tag) =	ssettag $0x2  }
0x9d: {  	s0 =	rddreg [dreg:$0x0];
	s2 =	stileid.u32  }
0x9e: {  	s1 =	rddreg [dreg:$0x1];
	p0 =	sne.s32 s2, $0x0  }
0x9f: {  	s3 =	rddreg [dreg:$0x2];
	[bflag:$0x3] =	sbarrier.arrive $0xFFFF;
	s2 =	simm.s32 @!p0 $0x1C03  }
0xa0: {  	[timem:s3], [sflag:s2] =	dma.local @!p0 [hbm:s0], s1  }
0xa1: {  	s0 =	simm.s32 @!p0 $0x3  }
0xa2: {  	_ =	swait.ge @!p0 [sflag:s0], s1  }
0xa3: {  	s1 =	ssub.s32 @!p0 $0x0, s1;
	[sflag:s0] =	ssyncset.done @!p0 $0x0  }
0xa4: {  	[sflag:s0] =	ssyncadd.s32 @!p0 s1  }
0xa5: {  	[bflag:$0x3] =	sbarrier.arrive $0xFFFF  }
0xa6: {  	_ =	shalt  }

// kernel: kernel.8.cloned.1.call-start
scs
__scs_entry_jumppad:
0x0: {  	(pc) =	sbr.rel $0x88, $3  }
0x1: {  	(tag) =	ssettag $0x0;
	lr =	simm.s32 $0x1  }
0x2: {  	[smem:$0x3F98] =	sst lr;
	_ =	strace $0xD0000000  }
0x3: {  	_ = 	snop  }
0x4: {  	_ = 	snop  }
0x5: {  	_ = 	snop  }
0x6: {  	_ = 	snop  }
0x7: {  	_ = 	snop  }
__scs_overlays_trampoline_lowered:
0x8: {  	[smem:$0x3FA7] =	sst s0  }
0x9: {  	[smem:$0x3FA8] =	sst s1  }
0xa: {  	[smem:$0x3FA9] =	sst s2  }
0xb: {  	[smem:$0x3FAA] =	sst s3  }
0xc: {  	[smem:$0x3FAB] =	sst s4  }
0xd: {  	[smem:$0x3FAC] =	sst s5  }
0xe: {  	[smem:$0x3FAD] =	sst s6  }
0xf: {  	[smem:$0x3FAE] =	sst s7  }
0x10: {  	[smem:$0x3FAF] =	sst s8  }
0x11: {  	[smem:$0x3FB0] =	sst s9;
	s0 =	simm.s32 @!p0 $0x0  }
0x12: {  	s1 =	sld [smem:$0x3F96];
	s0 =	simm.s32 @p0 $0x1  }
0x13: {  	[smem:$0x3FB1] =	sst s0;
	s0 =	simm.s32 @!p1 $0x0  }
0x14: {  	s2 =	sld [smem:$0x3F95];
	s0 =	simm.s32 @p1 $0x1  }
0x15: {  	[smem:$0x3FB2] =	sst s0;
	s0 =	simm.s32 @!p2 $0x0  }
0x16: {  	s3 =	sld [smem:$0x3FDB];
	s0 =	simm.s32 @p2 $0x1  }
0x17: {  	s4 =	simm.s32 $0x1BF5;
	[smem:$0x3FB4] =	sst s0  }
0x18: {  	s0 =	sld [smem:$0x3F97];
	_ =	swait.ge [sflag:s4], $0x0  }
0x19: {  	s7 =	sld [smem:$0x3F98]  }
0x1a: {  	s8 =	sadd.s32 $0xFFFFE003, lr  }
0x1b: {  	s9 =	sadd.s32 $0xFFFFFEF7, lr;
	s5 =	simm.s32 $0xFFFFFFFF;
	p2 =	slt.u32 s8, $0xFFFFF086  }
0x1c: {  	p1 =	slt.u32 s9, $0xF7A;
	s5 =	simm.s32 @!p2 $0x0  }
0x1d: {  	s5 =	simm.s32 @p1 $0x1;
	p0 =	seq.s32 s7, s2  }
0x1e: {  	s7 =	smul.u32 @!p0 $0xF7A, s2;
	p2 =	seq.s32 @!p0 s5, $0x0  }
0x1f: {  	s9 =	smul.u32 $0xF7A, s1;
	s8 =	simm.s32 @!p0 $0x1BF5;
	p2 =	por !p2, p0  }
0x20: {  	[sflag:s8] =	ssyncset.s32 @!p0 $0xFFFFF086;
	s6 =	sadd.s32 @!p0 s3, s7;
	s7 =	simm.s32 @!p0 $0x108  }
0x21: {  	s3 =	sadd.s32 s3, s9;
	s6 =	sadd.s32 @!p0 $0x88, s6;
	s7 =	simm.s32 @p2 $0x1082  }
0x22: {  	[simem:s7], [sflag:s8] =	dma.local @!p0 [hbm:s6], $0xF7A  }
0x23: {  	s9 =	sor.u32 $0xD0000000, s2;
	s6 =	simm.s32 $0x108;
	_ =	swait.ge @!p0 [sflag:s8], $0x0  }
0x24: {  	s3 =	sadd.s32 $0x88, s3;
	s6 =	simm.s32 @!p1 $0x1082;
	[sflag:s4] =	ssyncset.s32 $0xFFFFF086  }
0x25: {  	[simem:s6], [sflag:s4] =	dma.local [hbm:s3], $0xF7A  }
0x26: {  	[smem:$0x3F98] =	sst s1;
	(tag) =	ssettag s2;
	_ =	strace s9  }
0x27: {  	s1 =	sld [smem:$0x3FA8]  }
0x28: {  	s2 =	sld [smem:$0x3FA9]  }
0x29: {  	s4 =	sld [smem:$0x3FAB]  }
0x2a: {  	p0 =	seq.s32 s5, $0x0;
	s5 =	sld [smem:$0x3FAC]  }
0x2b: {  	s6 =	sld [smem:$0x3FAD]  }
0x2c: {  	s7 =	sld [smem:$0x3FAE]  }
0x2d: {  	s3 =	simm.s32 $0x108;
	s8 =	sld [smem:$0x3FAF]  }
0x2e: {  	s3 =	simm.s32 @!p0 $0x1082;
	s9 =	sld [smem:$0x3FB0]  }
0x2f: {  	lr =	sadd.s32 s0, s3;
	s0 =	sld [smem:$0x3FA7]  }
0x30: {  	s3 =	sld [smem:$0x3FAA]  }
0x31: {  	[smem:$0x3FB3] =	sst s10  }
0x32: {  	s10 =	sld [smem:$0x3FB1];
	_ =	sdelay $0x3  }
0x33: {  	p0 =	seq.s32 s10, $0x1;
	s10 =	sld [smem:$0x3FB3];
	_ =	sdelay $0x3  }
0x34: {  	[smem:$0x3FB3] =	sst s10  }
0x35: {  	s10 =	sld [smem:$0x3FB2];
	_ =	sdelay $0x3  }
0x36: {  	p1 =	seq.s32 s10, $0x1;
	s10 =	sld [smem:$0x3FB3];
	_ =	sdelay $0x3  }
0x37: {  	[smem:$0x3FB3] =	sst s10  }
0x38: {  	s10 =	sld [smem:$0x3FB4]  }
0x39: {  	_ = 	snop;
	(pc) =	sbr.ind lr, $3  }
0x3a: {  	_ = 	snop  }
0x3b: {  	_ = 	snop  }
0x3c: {  	p2 =	seq.s32 s10, $0x1;
	s10 =	sld [smem:$0x3FB3]  }
0x3d: {  	_ =	shalt  }
0x3e: {  	_ =	shalt  }
0x3f: {  	_ =	shalt  }
0x40: {  	_ =	shalt  }
0x41: {  	_ =	shalt  }
0x42: {  	_ =	shalt  }
0x43: {  	_ =	shalt  }
0x44: {  	_ =	shalt  }
0x45: {  	_ =	shalt  }
0x46: {  	_ =	shalt  }
0x47: {  	_ =	shalt  }
0x48: {  	_ =	shalt  }
0x49: {  	_ =	shalt  }
0x4a: {  	_ =	shalt  }
0x4b: {  	_ =	shalt  }
0x4c: {  	_ =	shalt  }
0x4d: {  	_ =	shalt  }
0x4e: {  	_ =	shalt  }
0x4f: {  	_ =	shalt  }
0x50: {  	_ =	shalt  }
0x51: {  	_ =	shalt  }
0x52: {  	_ =	shalt  }
0x53: {  	_ =	shalt  }
0x54: {  	_ =	shalt  }
0x55: {  	_ =	shalt  }
0x56: {  	_ =	shalt  }
0x57: {  	_ =	shalt  }
0x58: {  	_ =	shalt  }
0x59: {  	_ =	shalt  }
0x5a: {  	_ =	shalt  }
0x5b: {  	_ =	shalt  }
0x5c: {  	_ =	shalt  }
0x5d: {  	_ =	shalt  }
0x5e: {  	_ =	shalt  }
0x5f: {  	_ =	shalt  }
0x60: {  	_ =	shalt  }
0x61: {  	_ =	shalt  }
0x62: {  	_ =	shalt  }
0x63: {  	_ =	shalt  }
0x64: {  	_ =	shalt  }
0x65: {  	_ =	shalt  }
0x66: {  	_ =	shalt  }
0x67: {  	_ =	shalt  }
0x68: {  	_ =	shalt  }
0x69: {  	_ =	shalt  }
0x6a: {  	_ =	shalt  }
0x6b: {  	_ =	shalt  }
0x6c: {  	_ =	shalt  }
0x6d: {  	_ =	shalt  }
0x6e: {  	_ =	shalt  }
0x6f: {  	_ =	shalt  }
0x70: {  	_ =	shalt  }
0x71: {  	_ =	shalt  }
0x72: {  	_ =	shalt  }
0x73: {  	_ =	shalt  }
0x74: {  	_ =	shalt  }
0x75: {  	_ =	shalt  }
0x76: {  	_ =	shalt  }
0x77: {  	_ =	shalt  }
0x78: {  	_ =	shalt  }
0x79: {  	_ =	shalt  }
0x7a: {  	_ =	shalt  }
0x7b: {  	_ =	shalt  }
0x7c: {  	_ =	shalt  }
0x7d: {  	_ =	shalt  }
0x7e: {  	_ =	shalt  }
0x7f: {  	_ =	shalt  }
0x80: {  	_ =	shalt  }
0x81: {  	_ =	shalt  }
0x82: {  	_ =	shalt  }
0x83: {  	_ =	shalt  }
0x84: {  	_ =	shalt  }
0x85: {  	_ =	shalt  }
0x86: {  	_ =	shalt  }
0x87: {  	_ =	shalt  }
.Lfunc_end0:
.L_simem_size_0:
called_computation_lowered:
.L_overlay_start_0:
0x88: {  	s2 =	sld [smem:$0x3FD9]  }
0x89: {  	s3 =	sld [smem:$0x3FFE];
	_ =	sdelay $0x1  }
0x8a: {  	s1 =	srdreg.scid  }
0x8b: {  	s0 =	sand.u32 $0x1, s1  }
0x8c: {  	s16 =	sshll.u32 s0, $0xA;
	s2 =	sadd.s32 s3, s2  }
0x8d: {  	s2 =	sadd.s32 s2, s16  }
0x8e: {  	[smem:$0x3FBF] =	sst s2  }
0x8f: {  	_ = 	snop  }
0x90: {  	(tm) =	ssettm $0x1  }
0x91: {  	s17 =	sld [smem:$0x3FFB];
	_ =	sdelay $0x3  }
0x92: {  	_ =	strace s17  }
0x93: {  	s2 =	sld [smem:$0x3FFC];
	_ =	sdelay $0x3  }
0x94: {  	_ =	strace s2  }
0x95: {  	s2 =	sld [smem:$0x3FFD];
	_ =	sdelay $0x3  }
0x96: {  	_ =	strace s2  }
0x97: {  	_ =	strace $0x8FFFFFFF  }
0x98: {  	s18 =	sld [smem:$0x3FDB];
	_ =	sdelay $0x1  }
0x99: {  	s19 =	simm.s32 $_scs_section_size  }
0x9a: {  	s4 =	simm.s32 $_size__tile_overlayer_lowered;
	s5 =	simm.s32 $_tile_overlayer_lowered  }
0x9b: {  	s22 =	simm.s32 $0x1BFF;
	s21 =	sshll.u32 s5, $0x1;
	s2 =	sadd.s32 s19, s18  }
0x9c: {  	s6 =	simm.s32 $0x0;
	s20 =	sshll.u32 s4, $0x1;
	s4 =	sadd.s32 s21, s2  }
0x9d: {  	[timem:s6], [sflag:s22] =	dma.local [hbm:s4], s20  }
0x9e: {  	_ =	swait.ge [sflag:s22], s20  }
0x9f: {  	s3 =	ssub.s32 $0x0, s20;
	[sflag:s22] =	ssyncset.done $0x0  }
0xa0: {  	[sflag:s22] =	ssyncadd.s32 s3;
	_ =	sdelay $0x1  }
0xa1: {  	s23 =	simm.s32 $0x1B8B  }
0xa2: {  	_ =	swait.ge [sflag:s23], $0x1  }
0xa3: {  	[sflag:s23] =	ssyncset.done $0x0  }
0xa4: {  	s25 =	simm.s32 $0x1B8E;
	s24 =	sld [smem:$0x3FFE];
	[sflag:s23] =	ssyncadd.s32 $0xFFFFFFFF  }
0xa5: {  	s26 =	simm.s32 $execute0_lowered;
	[smem:$0x3FD2] =	sst s25  }
0xa6: {  	s4 =	sshll.u32 s26, $0x1;
	_ =	strace $0x80000046;
	[dreg:$0x1] =	wrdreg $0xFFFFFFFF  }
0xa7: {  	s28 =	simm.s32 $_size_execute0_lowered;
	s2 =	sadd.s32 s2, s4;
	[dreg:$0x0] =	wrdreg $0x0  }
0xa8: {  	s4 =	sshll.u32 s28, $0x1;
	[dreg:$0x2] =	wrdreg s2  }
0xa9: {  	[dreg:$0x3] =	wrdreg s4  }
0xaa: {  	[dreg:$0x4] =	wrdreg $0xC0  }
0xab: {  	_ =	task [dreg:s6], $0x5FFFF  }
0xac: {  	[dreg:$0x1] =	wrdreg $0xFFFFFFFF  }
0xad: {  	[dreg:$0x0] =	wrdreg $0x60  }
0xae: {  	[dreg:$0x2] =	wrdreg s24  }
0xaf: {  	[dreg:$0x3] =	wrdreg $0x68000  }
0xb0: {  	[dreg:$0x4] =	wrdreg $0x9  }
0xb1: {  	_ =	task.clear_ibuf [dreg:s6], $0x5FFFF;
	_ =	strace $0x90000046  }
0xb2: {  	s29 =	simm.s32 $0x9;
	_ =	strace $0x80000048  }
0xb3: {  	_ =	swait.ge [sflag:s29], $0x1  }
0xb4: {  	[sflag:s29] =	ssyncadd.s32 $0xFFFFFFFF  }
0xb5: {  	_ =	strace $0x90000048  }
0xb6: {  	_ =	sfence  }
0xb7: {  	s30 =	sld [smem:$0x0];
	_ =	sdelay $0x2  }
0xb8: {  	s31 =	sshll.u32 s1, $0xD;
	s1 =	sshrl.u32 s1, $0x2  }
0xb9: {  	s3 =	sand.u32 $0x4000, s31;
	s1 =	sadd.s32 s1, s30  }
0xba: {  	s0 =	sor.u32 s3, s0;
	s1 =	sshll.u32 s1, $0x11  }
0xbb: {  	s0 =	sor.u32 s1, s0  }
0xbc: {  	s0 =	sadd.s32 $0x8F2B, s0  }
0xbd: {  	[sflag:s0] =	ssyncadd.remote.s32 $0x1  }
0xbe: {  	_ =	sfence.sel $0xFFFF  }
0xbf: {  	[dreg:$0x0] =	wrdreg $0xFFFFFFFF;
	(pc) =	sbr.abs _section_cstart, $3  }
0xc0: {  	[dreg:$0x1] =	wrdreg $0xFFFFFFFF  }
0xc1: {  	_ =	task.clear_ibuf [dreg:s6], $0x2FFFF;
	_ =	strace $0x9FFFFFFF  }
0xc2: {  	(tm) =	ssettm $0x7FFFFFFF  }
0xc3: {  	_ =	shalt  }
tec
execute0_lowered:
.L_overlay_start_1:
0x0: {  	(tag) =	ssettag $0x1  }
0x1: {  	s0 =	srdreg.scid;
	s5 =	rddreg [dreg:$0x0]  }
0x2: {  	s2 =	rddreg [dreg:$0x1];
	s1 =	stileid.u32  }
0x3: {  	s3 =	simm.s32 $0x0;
	s17 =	simm.s32 $0x1;
	s18 =	simm.s32 $0x0  }
0x4: {  	s6 =	sand.u32 $0x1, s0;
	s0 =	rddreg [dreg:$0x2];
	s7 =	smul.u32 $0x270, s1  }
0x5: {  	[smem:$0x7FF] =	sst s3;
	s10 =	smul.u32 $0x4E000, s1;
	s13 =	sadd.s32 $0xC200, s5  }
0x6: {  	s14 =	sadd.s32 $0x5AE00, s5;
	s15 =	sshll.u32 s1, $0x6;
	s12 =	smul.u32 $0x2720, s6  }
0x7: {  	p0 =	sne.s32 s1, $0xF;
	s4 =	sshll.u32 s6, $0x4;
	s25 =	smul.u32 $0x139000, s6  }
0x8: {  	_ =	strace $0x80000047;
	s9 =	ssub.s32 $0x2, s6;
	s29 =	smul.u32 $0x2710, s6  }
0x9: {  	s16 =	smul.u32 $0x138800, s6;
	s6 =	sor.u32 $0x1C02, s15;
	s15 =	sadd.s32 $0x138000, s2  }
0xa: {  	s4 =	sor.u32 s1, s4;
	s11 =	sshrl.u32 s9, $0x1;
	s23 =	sshrl.u32 s10, $0x2  }
0xb: {  	s4 =	smul.u32 $0x500, s4;
	s11 =	ssub.s32 s9, s11;
	s24 =	sadd.s32 s7, s12  }
0xc: {  	s26 =	sadd.s32 s23, s2;
	s10 =	sshrl.u32 s25, $0x3;
	s9 =	sadd.s32 s7, s29  }
0xd: {  	s30 =	sshrl.u32 s16, $0x3;
	s16 =	simm.s32 $0x80;
	s28 =	sshll.u32 s24, $0x4  }
0xe: {  	s10 =	sadd.s32 s13, s10;
	s9 =	sshll.u32 s9, $0x4;
	s31 =	sadd.s32 s14, s30  }
0xf: {  	s11 =	smax.u32 s11, $0x1;
	s12 =	sshrl.u32 s26, $0x3;
	s8 =	sadd.s32 s4, s5  }
0x10: {  	s4 =	sadd.s32 $0x5A600, s5;
	s5 =	sadd.s32 s13, s28;
	s7 =	sadd.s32 $0x27000, s10  }
0x11: {  	s9 =	sadd.s32 s14, s9;
	s10 =	sadd.s32 $0x27000, s31;
	s13 =	simm.s32 $0x2  }
0x12: {  	s14 =	sshrl.u32 @!p0 s15, $0x3;
	s15 =	simm.s32 $0x2800;
	s8 =	sadd.s32 $0x2200, s8  }
.LBB2_1:
0x13: {  	[spmem:s12], [sflag:s6] =	dma.local [hbm:s5], $0x2700  }
0x14: {  	_ =	swait.ge [sflag:s13], $0x2700  }
0x15: {  	[sflag:s13] =	ssyncset.done $0x0  }
0x16: {  	s19 =	simm.s32 @!p0 $0x2;
	[sflag:s13] =	ssyncadd.s32 $0xFFFFD900  }
0x17: {  	[spmem:s14], [sflag:s6] =	dma.local @!p0 [hbm:s7], $0x200  }
0x18: {  	_ =	swait.ge @!p0 [sflag:s19], $0x200  }
0x19: {  	[sflag:s19] =	ssyncset.done @!p0 $0x0  }
0x1a: {  	[sflag:s19] =	ssyncadd.s32 @!p0 $0xFFFFFE00  }
0x1b: {  	[tilespmem:s15], [sflag:$0x2] =	stream.linear.gather [hbm4b:s4+s3], $0x4000, $0x38;
	[tilespmem:$0x7B90] =	vst v63  }
0x1c: {  	_ =	swait.ge [sflag:s13], $0x4000  }
0x1d: {  	[sflag:s13] =	ssyncset.done $0x0  }
0x1e: {  	[sflag:s13] =	ssyncadd.s32 $0xFFFFC000  }
0x1f: {  	[tilespmem:s3], [sflag:$0x2] =	stream.linear.gather [hbm4b:s8+s3], $0x2800, $0x38;
	[tilespmem:$0x7B90] =	vst v63  }
0x20: {  	_ =	swait.ge [sflag:s13], $0x2800  }
0x21: {  	[sflag:s13] =	ssyncset.done $0x0  }
0x22: {  	[sflag:s13] =	ssyncadd.s32 $0xFFFFD800  }
0x23: {  	s19 =	simm.s32 $0x0;
	[bflag:$0x0] =	sbarrier.arrive $0xFFFF  }
.LBB2_2:
0x24: {  	p1 =	sne.s32 s19, $0x9E00  }
.Ltmp0:
0x25: {  	_ = 	snop;
	(pc) =	sbr.rel @p1 .LBB2_2-.Ltmp0, $3  }
0x26: {  	_ =	sdelay $0x1  }
0x27: {  	s20 =	sshra.s32 s19, $0x2;
	s19 =	sadd.s32 $0x200, s19  }
0x28: {  	[spmem:s2] =	stream.indirect.scatter.add.f32 [tilespmem:s15], [sflag:$0x1], $0x8, s20, s16, $0xb8;
	[tilespmem:$0x7B90] =	vst v63  }
0x29: {  	_ =	swait.ge [sflag:s17], $0x400  }
0x2a: {  	s19 =	simm.s32 $0x4F;
	[sflag:s17] =	ssyncset.done $0x0  }
.LBB2_4:
0x2b: {  	p1 =	sne.s32 s19, $0x1;
	s19 =	sadd.s32 $0xFFFFFFFF, s19;
	[sflag:s17] =	ssyncadd.s32 $0xFFFFFC00  }
.Ltmp1:
0x2c: {  	(pc) =	sbr.rel @p1 .LBB2_4-.Ltmp1, $3  }
0x2d: {  	_ =	sdelay $0x1  }
0x2e: {  	_ =	swait.ge [sflag:s17], $0x400  }
0x2f: {  	[sflag:s17] =	ssyncset.done $0x0  }
0x30: {  	[sflag:s17] =	ssyncadd.s32 $0xFFFFFC00  }
0x31: {  	[bflag:$0x0] =	sbarrier.arrive $0xFFFF  }
0x32: {  	[hbm:s9], [sflag:s6] =	dma.local [spmem:s12], $0x2700  }
0x33: {  	s18 =	sadd.s32 $0x1, s18;
	_ =	swait.ge [sflag:s13], $0x2700  }
0x34: {  	p1 =	sne.s32 s18, s11;
	[sflag:s13] =	ssyncset.done $0x0  }
.Ltmp2:
0x35: {  	s19 =	simm.s32 @!p0 $0x2;
	[sflag:s13] =	ssyncadd.s32 $0xFFFFD900;
	(pc) =	sbr.rel @p1 .LBB2_1-.Ltmp2, $4  }
0x36: {  	[hbm:s10], [sflag:s6] =	dma.local @!p0 [spmem:s14], $0x100  }
0x37: {  	_ =	swait.ge @!p0 [sflag:s19], $0x100  }
0x38: {  	[sflag:s19] =	ssyncset.done @!p0 $0x0  }
0x39: {  	[sflag:s19] =	ssyncadd.s32 @!p0 $0xFFFFFF00  }
0x3a: {  	_ =	sfence.sel $0x180000  }
0x3b: {  	[bflag:$0x0] =	sbarrier.arrive $0xFFFF  }
0x3c: {  	p0 =	sne.s32 s1, $0x0;
	_ =	strace $0x90000047  }
0x3d: {  	s0 =	sadd.s32 @!p0 $0x100000, s0;
	[bflag:$0x2] =	sbarrier.arrive $0xFFFF  }
0x3e: {  	[sflag:s0] =	ssyncadd.tile.s32 @!p0 $0x1;
	_ =	shalt  }
.Lfunc_end2:
_tile_overlayer_lowered:
.L_overlay_start_2:
0x3f: {  	(tag) =	ssettag $0x2  }
0x40: {  	s0 =	rddreg [dreg:$0x0];
	s2 =	stileid.u32  }
0x41: {  	s1 =	rddreg [dreg:$0x1];
	p0 =	sne.s32 s2, $0x0  }
0x42: {  	s3 =	rddreg [dreg:$0x2];
	[bflag:$0x3] =	sbarrier.arrive $0xFFFF;
	s2 =	simm.s32 @!p0 $0x1C02  }
0x43: {  	[timem:s3], [sflag:s2] =	dma.local @!p0 [hbm:s0], s1  }
0x44: {  	s0 =	simm.s32 @!p0 $0x2  }
0x45: {  	_ =	swait.ge @!p0 [sflag:s0], s1  }
0x46: {  	s1 =	ssub.s32 @!p0 $0x0, s1;
	[sflag:s0] =	ssyncset.done @!p0 $0x0  }
0x47: {  	[sflag:s0] =	ssyncadd.s32 @!p0 s1  }
0x48: {  	[bflag:$0x3] =	sbarrier.arrive $0xFFFF  }
0x49: {  	_ =	shalt  }

</sc_bundles>
